<compile_context>
chip_gen: v7x
topology: tpu7x:2x2x1
jax: 0.10.2.dev20260603
libtpu: 0.0.44.dev20260713+nightly
codegen_flags: <defaults>
</compile_context>

<pallas_src>
import functools

import jax
import jax.numpy as jnp
from jax import lax
from jax.experimental import pallas as pl
from jax.experimental.pallas import tpu as pltpu
from jax.experimental.pallas import tpu_sc as plsc

VOCAB = 100000
EMBED_DIM = 64
BATCH = 1024
CTX = 50
MAX_NORM = 1.0

NC, NS = 2, 16
NW = NC * NS
LOOKUPS = BATCH * CTX
PER_W = LOOKUPS // NW
CHUNK = 80
NCHUNK = PER_W // CHUNK


def _sc_gather(x_r, table):
    mesh = plsc.VectorSubcoreMesh(core_axis_name="c", subcore_axis_name="s")

    @functools.partial(
        pl.kernel,
        out_type=jax.ShapeDtypeStruct((NW, NCHUNK, CHUNK, EMBED_DIM),
                                      jnp.float32),
        mesh=mesh,
        compiler_params=pltpu.CompilerParams(use_tc_tiling_on_sc=False),
        scratch_types=[
            pltpu.VMEM((NCHUNK, CHUNK), jnp.int32),
            pltpu.VMEM((NCHUNK, CHUNK, EMBED_DIM), jnp.float32),
            pltpu.SemaphoreType.DMA,
        ],
    )
    def k(x_hbm, table_hbm, out_hbm, idx_v, rows_v, sem):
        wid = lax.axis_index("s") * NC + lax.axis_index("c")
        pltpu.sync_copy(x_hbm.at[wid], idx_v)
        copies = [
            pltpu.async_copy(table_hbm.at[idx_v.at[g]], rows_v.at[g], sem)
            for g in range(NCHUNK)
        ]
        for c in copies:
            c.wait()
        pltpu.sync_copy(rows_v, out_hbm.at[wid])

    return k(x_r, table)


_B_BLK = 128


_HCTX = CTX // 2


def _pool_body(emb_ref, ht_ref):
    e = emb_ref[...]
    eL, eR = e[:, :EMBED_DIM], e[:, EMBED_DIM:]
    n2L = jnp.sum(eL * eL, axis=1, keepdims=True)
    n2R = jnp.sum(eR * eR, axis=1, keepdims=True)
    sL = eL * jnp.minimum(1.0, MAX_NORM / (jnp.sqrt(n2L) + 1e-7))
    sR = eR * jnp.minimum(1.0, MAX_NORM / (jnp.sqrt(n2R) + 1e-7))
    comb = sL + sR
    r = lax.broadcasted_iota(jnp.int32, (_B_BLK, _B_BLK * _HCTX), 1) // _HCTX
    i = lax.broadcasted_iota(jnp.int32, (_B_BLK, _B_BLK * _HCTX), 0)
    pool = jnp.where(r == i, 1.0 / CTX, 0.0).astype(jnp.float32)
    ht_ref[...] = lax.dot_general(comb, pool, (((0,), (1,)), ((), ())),
                                  preferred_element_type=jnp.float32)


def _pool(emb_w):
    grid = (BATCH // _B_BLK,)
    return pl.pallas_call(
        _pool_body,
        grid=grid,
        in_specs=[pl.BlockSpec((_B_BLK * _HCTX, 2 * EMBED_DIM),
                               lambda i: (i, 0))],
        out_specs=pl.BlockSpec((EMBED_DIM, _B_BLK), lambda i: (0, i)),
        out_shape=jax.ShapeDtypeStruct((EMBED_DIM, BATCH), jnp.float32),
    )(emb_w)


_V_BLK = 2048


def _mm_body(wt_ref, ht_ref, b_ref, o_ref):
    w = wt_ref[...].astype(jnp.bfloat16)
    h = ht_ref[...].astype(jnp.bfloat16)
    acc = lax.dot_general(w, h, (((0,), (0,)), ((), ())),
                          preferred_element_type=jnp.float32)
    bcol = jnp.swapaxes(b_ref[...], 0, 1)
    o_ref[...] = acc + bcol


def _matmul(ht, wt, brow):
    grid = (pl.cdiv(VOCAB, _V_BLK),)
    return pl.pallas_call(
        _mm_body,
        grid=grid,
        in_specs=[
            pl.BlockSpec((EMBED_DIM, _V_BLK), lambda j: (0, j)),
            pl.BlockSpec((EMBED_DIM, BATCH), lambda j: (0, 0)),
            pl.BlockSpec((1, _V_BLK), lambda j: (0, j)),
        ],
        out_specs=pl.BlockSpec((_V_BLK, BATCH), lambda j: (j, 0)),
        out_shape=jax.ShapeDtypeStruct((VOCAB, BATCH), jnp.float32),
    )(wt, ht, brow)


def kernel(x, table, W, b):
    x_r = x.reshape(NW, NCHUNK, CHUNK)
    emb_w = _sc_gather(x_r, table).reshape(LOOKUPS // 2, 2 * EMBED_DIM)
    ht = _pool(emb_w)
    logits_t = _matmul(ht, W.T, b.reshape(1, VOCAB))
    return logits_t.T

# --- scband reference (transcript-rebuilt; emitter-appended) ---
"""Pipeline reference for scband-cbow-65111704208070 (READ-ONLY COPY).

The authoritative reference and input builder live on the scoring server;
editing this copy changes nothing except your own understanding.
"""

import jax, jax.numpy as jnp
import numpy as np

VOCAB = 100000
EMBED_DIM = 64
BATCH = 1024
CTX = 50
MAX_NORM = 1.0


def setup_inputs(seed: int = 0) -> dict:
    key = jax.random.key(seed)
    k1, k2, k3, k4 = jax.random.split(key, 4)
    x = jax.random.randint(k1, (BATCH, CTX), 0, VOCAB, dtype=jnp.int32)
    # nn.Embedding default init: N(0, 1)
    table = jax.random.normal(k2, (VOCAB, EMBED_DIM), dtype=jnp.float32)
    # nn.Linear default init: U(-1/sqrt(fan_in), 1/sqrt(fan_in))
    bound = 1.0 / np.sqrt(EMBED_DIM)
    W = jax.random.uniform(k3, (VOCAB, EMBED_DIM), minval=-bound, maxval=bound, dtype=jnp.float32)
    b = jax.random.uniform(k4, (VOCAB,), minval=-bound, maxval=bound, dtype=jnp.float32)
    return {"x": x, "table": table, "W": W, "b": b}


def reference(x, table, W, b):
    # Embedding lookup (gather) with max_norm=1 renormalization.
    emb = jnp.take(table, x, axis=0)  # [B, CTX, D]
    # torch renormalizes rows whose norm exceeds max_norm, in-place with no grad
    # through the scale factor; emulate with stop_gradient on the scale.
    norms = jnp.linalg.norm(emb, axis=-1, keepdims=True)
    scale = jnp.minimum(1.0, MAX_NORM / (norms + 1e-7))
    emb = emb * jax.lax.stop_gradient(scale)
    # Mean pool over context window.
    h = emb.mean(axis=1)  # [B, D]
    # Linear projection back to vocab.
    logits = h @ W.T + b  # [B, VOCAB]
    return logits

if __name__ == "__main__":
    import jax
    _d = setup_inputs()
    print(jax.jit(kernel)(*tuple(_d.values())))

</pallas_src>

<mosaic_0001>
#map = affine_map<(d0, d1) -> (0, 0, 0)>
#map1 = affine_map<(d0, d1) -> (0, 0)>
#map2 = affine_map<(d0, d1) -> (0, 0, 0, 0)>
module attributes {stable_mosaic.version = 14 : i64} {
  func.func @k(%arg0: i32, %arg1: i32, %arg2: memref<32x20x80xi32, #tpu.memory_space<hbm>>, %arg3: memref<100000x64xf32, #tpu.memory_space<hbm>>, %arg4: memref<32x20x80x64xf32, #tpu.memory_space<hbm>>, %arg5: memref<20x80xi32, #tpu.memory_space<vmem>>, %arg6: memref<20x80x64xf32, #tpu.memory_space<vmem>>, %arg7: memref<!tpu.dma_semaphore, #tpu.memory_space<semaphore_mem>>) attributes {dimension_semantics = [#tpu.dimension_semantics<core_parallel>, #tpu.dimension_semantics<subcore_parallel>], iteration_bounds = array<i64: 2, 16>, scalar_prefetch = 0 : i64, scratch_operands = 3 : i64, tpu.core_type = #tpu.core_type<sc_vector_subcore>, window_params = [{transform_indices = #map}, {transform_indices = #map1}, {transform_indices = #map2}]} {
    %mul3A = arith.constant 2 : i32
    %mul3A_0 = arith.muli %arg1, %mul3A : i32
    %add3A = arith.addi %mul3A_0, %arg0 : i32
    "tpu.region"() ({
      %run_scoped3A = tpu.sem_alloc : memref<!tpu.dma_semaphore, #tpu.memory_space<semaphore_mem>>
      %dma_start3A_479 = arith.constant 0 : i32
      %dma_start3A_480 = arith.constant 0 : i32
      %dma_start3A_481 = tpu.memref_slice %arg2[%add3A, %dma_start3A_479, %dma_start3A_480] : memref<32x20x80xi32, #tpu.memory_space<hbm>> -> memref<1x20x80xi32, #tpu.memory_space<hbm>>
      %dma_start3A_482 = tpu.memref_squeeze %dma_start3A_481 : memref<1x20x80xi32, #tpu.memory_space<hbm>> -> memref<20x80xi32, #tpu.memory_space<hbm>>
      %dma_start3A_483 = arith.constant 0 : i32
      %dma_start3A_484 = arith.constant 0 : i32
      %dma_start3A_485 = tpu.memref_slice %arg2[%add3A, %dma_start3A_483, %dma_start3A_484] : memref<32x20x80xi32, #tpu.memory_space<hbm>> -> memref<1x20x80xi32, #tpu.memory_space<hbm>>
      %dma_start3A_486 = tpu.memref_squeeze %dma_start3A_485 : memref<1x20x80xi32, #tpu.memory_space<hbm>> -> memref<20x80xi32, #tpu.memory_space<hbm>>
      tpu.enqueue_dma source(%dma_start3A_486 : memref<20x80xi32, #tpu.memory_space<hbm>>) target(%arg5 : memref<20x80xi32, #tpu.memory_space<vmem>>) target_semaphore(%run_scoped3A : memref<!tpu.dma_semaphore, #tpu.memory_space<semaphore_mem>>)
      %dma_wait3A_487 = arith.constant 0 : i32
      %dma_wait3A_488 = arith.constant 0 : i32
      %dma_wait3A_489 = tpu.memref_slice %arg2[%add3A, %dma_wait3A_487, %dma_wait3A_488] : memref<32x20x80xi32, #tpu.memory_space<hbm>> -> memref<1x20x80xi32, #tpu.memory_space<hbm>>
      %dma_wait3A_490 = tpu.memref_squeeze %dma_wait3A_489 : memref<1x20x80xi32, #tpu.memory_space<hbm>> -> memref<20x80xi32, #tpu.memory_space<hbm>>
      %dma_wait3A_491 = arith.constant 0 : i32
      %dma_wait3A_492 = arith.constant 0 : i32
      %dma_wait3A_493 = tpu.memref_slice %arg2[%add3A, %dma_wait3A_491, %dma_wait3A_492] : memref<32x20x80xi32, #tpu.memory_space<hbm>> -> memref<1x20x80xi32, #tpu.memory_space<hbm>>
      %dma_wait3A_494 = tpu.memref_squeeze %dma_wait3A_493 : memref<1x20x80xi32, #tpu.memory_space<hbm>> -> memref<20x80xi32, #tpu.memory_space<hbm>>
      tpu.wait_dma2 semaphore(%run_scoped3A : memref<!tpu.dma_semaphore, #tpu.memory_space<semaphore_mem>>) src(%dma_wait3A_494 : memref<20x80xi32, #tpu.memory_space<hbm>>) dst(%arg5 : memref<20x80xi32, #tpu.memory_space<vmem>>)
      tpu.yield
    }) : () -> ()
    %dma_start3A = arith.constant 0 : i32
    %dma_start3A_1 = arith.constant 0 : i32
    %dma_start3A_2 = arith.constant 0 : i32
    %dma_start3A_3 = arith.constant 0 : i32
    %dma_start3A_4 = tpu.memref_slice %arg6[%dma_start3A_1, %dma_start3A_2, %dma_start3A_3] : memref<20x80x64xf32, #tpu.memory_space<vmem>> -> memref<1x80x64xf32, #tpu.memory_space<vmem>>
    %dma_start3A_5 = tpu.memref_squeeze %dma_start3A_4 : memref<1x80x64xf32, #tpu.memory_space<vmem>> -> memref<80x64xf32, #tpu.memory_space<vmem>>
    %dma_start3A_6 = arith.constant 0 : i32
    %dma_start3A_7 = tpu.memref_slice %arg5[%dma_start3A, %dma_start3A_6] : memref<20x80xi32, #tpu.memory_space<vmem>> -> memref<1x80xi32, #tpu.memory_space<vmem>>
    %dma_start3A_8 = tpu.memref_squeeze %dma_start3A_7 : memref<1x80xi32, #tpu.memory_space<vmem>> -> memref<80xi32, #tpu.memory_space<vmem>>
    %dma_start3A_9 = arith.constant 0 : i32
    %dma_start3A_10 = arith.constant 0 : i32
    %dma_start3A_11 = tpu.memref_slice %arg3[%dma_start3A_9, %dma_start3A_10] : memref<100000x64xf32, #tpu.memory_space<hbm>> -> memref<100000x64xf32, #tpu.memory_space<hbm>>
    tpu.enqueue_indirect_dma source(%dma_start3A_11 : memref<100000x64xf32, #tpu.memory_space<hbm>>) target(%dma_start3A_5 : memref<80x64xf32, #tpu.memory_space<vmem>>) offsets(%dma_start3A_8 : memref<80xi32, #tpu.memory_space<vmem>>) semaphore(%arg7 : memref<!tpu.dma_semaphore, #tpu.memory_space<semaphore_mem>>)
    %dma_start3A_12 = arith.constant 1 : i32
    %dma_start3A_13 = arith.constant 1 : i32
    %dma_start3A_14 = arith.constant 0 : i32
    %dma_start3A_15 = arith.constant 0 : i32
    %dma_start3A_16 = tpu.memref_slice %arg6[%dma_start3A_13, %dma_start3A_14, %dma_start3A_15] : memref<20x80x64xf32, #tpu.memory_space<vmem>> -> memref<1x80x64xf32, #tpu.memory_space<vmem>>
    %dma_start3A_17 = tpu.memref_squeeze %dma_start3A_16 : memref<1x80x64xf32, #tpu.memory_space<vmem>> -> memref<80x64xf32, #tpu.memory_space<vmem>>
    %dma_start3A_18 = arith.constant 0 : i32
    %dma_start3A_19 = tpu.memref_slice %arg5[%dma_start3A_12, %dma_start3A_18] : memref<20x80xi32, #tpu.memory_space<vmem>> -> memref<1x80xi32, #tpu.memory_space<vmem>>
    %dma_start3A_20 = tpu.memref_squeeze %dma_start3A_19 : memref<1x80xi32, #tpu.memory_space<vmem>> -> memref<80xi32, #tpu.memory_space<vmem>>
    %dma_start3A_21 = arith.constant 0 : i32
    %dma_start3A_22 = arith.constant 0 : i32
    %dma_start3A_23 = tpu.memref_slice %arg3[%dma_start3A_21, %dma_start3A_22] : memref<100000x64xf32, #tpu.memory_space<hbm>> -> memref<100000x64xf32, #tpu.memory_space<hbm>>
    tpu.enqueue_indirect_dma source(%dma_start3A_23 : memref<100000x64xf32, #tpu.memory_space<hbm>>) target(%dma_start3A_17 : memref<80x64xf32, #tpu.memory_space<vmem>>) offsets(%dma_start3A_20 : memref<80xi32, #tpu.memory_space<vmem>>) semaphore(%arg7 : memref<!tpu.dma_semaphore, #tpu.memory_space<semaphore_mem>>)
    %dma_start3A_24 = arith.constant 2 : i32
    %dma_start3A_25 = arith.constant 2 : i32
    %dma_start3A_26 = arith.constant 0 : i32
    %dma_start3A_27 = arith.constant 0 : i32
    %dma_start3A_28 = tpu.memref_slice %arg6[%dma_start3A_25, %dma_start3A_26, %dma_start3A_27] : memref<20x80x64xf32, #tpu.memory_space<vmem>> -> memref<1x80x64xf32, #tpu.memory_space<vmem>>
    %dma_start3A_29 = tpu.memref_squeeze %dma_start3A_28 : memref<1x80x64xf32, #tpu.memory_space<vmem>> -> memref<80x64xf32, #tpu.memory_space<vmem>>
    %dma_start3A_30 = arith.constant 0 : i32
    %dma_start3A_31 = tpu.memref_slice %arg5[%dma_start3A_24, %dma_start3A_30] : memref<20x80xi32, #tpu.memory_space<vmem>> -> memref<1x80xi32, #tpu.memory_space<vmem>>
    %dma_start3A_32 = tpu.memref_squeeze %dma_start3A_31 : memref<1x80xi32, #tpu.memory_space<vmem>> -> memref<80xi32, #tpu.memory_space<vmem>>
    %dma_start3A_33 = arith.constant 0 : i32
    %dma_start3A_34 = arith.constant 0 : i32
    %dma_start3A_35 = tpu.memref_slice %arg3[%dma_start3A_33, %dma_start3A_34] : memref<100000x64xf32, #tpu.memory_space<hbm>> -> memref<100000x64xf32, #tpu.memory_space<hbm>>
    tpu.enqueue_indirect_dma source(%dma_start3A_35 : memref<100000x64xf32, #tpu.memory_space<hbm>>) target(%dma_start3A_29 : memref<80x64xf32, #tpu.memory_space<vmem>>) offsets(%dma_start3A_32 : memref<80xi32, #tpu.memory_space<vmem>>) semaphore(%arg7 : memref<!tpu.dma_semaphore, #tpu.memory_space<semaphore_mem>>)
    %dma_start3A_36 = arith.constant 3 : i32
    %dma_start3A_37 = arith.constant 3 : i32
    %dma_start3A_38 = arith.constant 0 : i32
    %dma_start3A_39 = arith.constant 0 : i32
    %dma_start3A_40 = tpu.memref_slice %arg6[%dma_start3A_37, %dma_start3A_38, %dma_start3A_39] : memref<20x80x64xf32, #tpu.memory_space<vmem>> -> memref<1x80x64xf32, #tpu.memory_space<vmem>>
    %dma_start3A_41 = tpu.memref_squeeze %dma_start3A_40 : memref<1x80x64xf32, #tpu.memory_space<vmem>> -> memref<80x64xf32, #tpu.memory_space<vmem>>
    %dma_start3A_42 = arith.constant 0 : i32
    %dma_start3A_43 = tpu.memref_slice %arg5[%dma_start3A_36, %dma_start3A_42] : memref<20x80xi32, #tpu.memory_space<vmem>> -> memref<1x80xi32, #tpu.memory_space<vmem>>
    %dma_start3A_44 = tpu.memref_squeeze %dma_start3A_43 : memref<1x80xi32, #tpu.memory_space<vmem>> -> memref<80xi32, #tpu.memory_space<vmem>>
    %dma_start3A_45 = arith.constant 0 : i32
    %dma_start3A_46 = arith.constant 0 : i32
    %dma_start3A_47 = tpu.memref_slice %arg3[%dma_start3A_45, %dma_start3A_46] : memref<100000x64xf32, #tpu.memory_space<hbm>> -> memref<100000x64xf32, #tpu.memory_space<hbm>>
    tpu.enqueue_indirect_dma source(%dma_start3A_47 : memref<100000x64xf32, #tpu.memory_space<hbm>>) target(%dma_start3A_41 : memref<80x64xf32, #tpu.memory_space<vmem>>) offsets(%dma_start3A_44 : memref<80xi32, #tpu.memory_space<vmem>>) semaphore(%arg7 : memref<!tpu.dma_semaphore, #tpu.memory_space<semaphore_mem>>)
    %dma_start3A_48 = arith.constant 4 : i32
    %dma_start3A_49 = arith.constant 4 : i32
    %dma_start3A_50 = arith.constant 0 : i32
    %dma_start3A_51 = arith.constant 0 : i32
    %dma_start3A_52 = tpu.memref_slice %arg6[%dma_start3A_49, %dma_start3A_50, %dma_start3A_51] : memref<20x80x64xf32, #tpu.memory_space<vmem>> -> memref<1x80x64xf32, #tpu.memory_space<vmem>>
    %dma_start3A_53 = tpu.memref_squeeze %dma_start3A_52 : memref<1x80x64xf32, #tpu.memory_space<vmem>> -> memref<80x64xf32, #tpu.memory_space<vmem>>
    %dma_start3A_54 = arith.constant 0 : i32
    %dma_start3A_55 = tpu.memref_slice %arg5[%dma_start3A_48, %dma_start3A_54] : memref<20x80xi32, #tpu.memory_space<vmem>> -> memref<1x80xi32, #tpu.memory_space<vmem>>
    %dma_start3A_56 = tpu.memref_squeeze %dma_start3A_55 : memref<1x80xi32, #tpu.memory_space<vmem>> -> memref<80xi32, #tpu.memory_space<vmem>>
    %dma_start3A_57 = arith.constant 0 : i32
    %dma_start3A_58 = arith.constant 0 : i32
    %dma_start3A_59 = tpu.memref_slice %arg3[%dma_start3A_57, %dma_start3A_58] : memref<100000x64xf32, #tpu.memory_space<hbm>> -> memref<100000x64xf32, #tpu.memory_space<hbm>>
    tpu.enqueue_indirect_dma source(%dma_start3A_59 : memref<100000x64xf32, #tpu.memory_space<hbm>>) target(%dma_start3A_53 : memref<80x64xf32, #tpu.memory_space<vmem>>) offsets(%dma_start3A_56 : memref<80xi32, #tpu.memory_space<vmem>>) semaphore(%arg7 : memref<!tpu.dma_semaphore, #tpu.memory_space<semaphore_mem>>)
    %dma_start3A_60 = arith.constant 5 : i32
    %dma_start3A_61 = arith.constant 5 : i32
    %dma_start3A_62 = arith.constant 0 : i32
    %dma_start3A_63 = arith.constant 0 : i32
    %dma_start3A_64 = tpu.memref_slice %arg6[%dma_start3A_61, %dma_start3A_62, %dma_start3A_63] : memref<20x80x64xf32, #tpu.memory_space<vmem>> -> memref<1x80x64xf32, #tpu.memory_space<vmem>>
    %dma_start3A_65 = tpu.memref_squeeze %dma_start3A_64 : memref<1x80x64xf32, #tpu.memory_space<vmem>> -> memref<80x64xf32, #tpu.memory_space<vmem>>
    %dma_start3A_66 = arith.constant 0 : i32
    %dma_start3A_67 = tpu.memref_slice %arg5[%dma_start3A_60, %dma_start3A_66] : memref<20x80xi32, #tpu.memory_space<vmem>> -> memref<1x80xi32, #tpu.memory_space<vmem>>
    %dma_start3A_68 = tpu.memref_squeeze %dma_start3A_67 : memref<1x80xi32, #tpu.memory_space<vmem>> -> memref<80xi32, #tpu.memory_space<vmem>>
    %dma_start3A_69 = arith.constant 0 : i32
    %dma_start3A_70 = arith.constant 0 : i32
    %dma_start3A_71 = tpu.memref_slice %arg3[%dma_start3A_69, %dma_start3A_70] : memref<100000x64xf32, #tpu.memory_space<hbm>> -> memref<100000x64xf32, #tpu.memory_space<hbm>>
    tpu.enqueue_indirect_dma source(%dma_start3A_71 : memref<100000x64xf32, #tpu.memory_space<hbm>>) target(%dma_start3A_65 : memref<80x64xf32, #tpu.memory_space<vmem>>) offsets(%dma_start3A_68 : memref<80xi32, #tpu.memory_space<vmem>>) semaphore(%arg7 : memref<!tpu.dma_semaphore, #tpu.memory_space<semaphore_mem>>)
    %dma_start3A_72 = arith.constant 6 : i32
    %dma_start3A_73 = arith.constant 6 : i32
    %dma_start3A_74 = arith.constant 0 : i32
    %dma_start3A_75 = arith.constant 0 : i32
    %dma_start3A_76 = tpu.memref_slice %arg6[%dma_start3A_73, %dma_start3A_74, %dma_start3A_75] : memref<20x80x64xf32, #tpu.memory_space<vmem>> -> memref<1x80x64xf32, #tpu.memory_space<vmem>>
    %dma_start3A_77 = tpu.memref_squeeze %dma_start3A_76 : memref<1x80x64xf32, #tpu.memory_space<vmem>> -> memref<80x64xf32, #tpu.memory_space<vmem>>
    %dma_start3A_78 = arith.constant 0 : i32
    %dma_start3A_79 = tpu.memref_slice %arg5[%dma_start3A_72, %dma_start3A_78] : memref<20x80xi32, #tpu.memory_space<vmem>> -> memref<1x80xi32, #tpu.memory_space<vmem>>
    %dma_start3A_80 = tpu.memref_squeeze %dma_start3A_79 : memref<1x80xi32, #tpu.memory_space<vmem>> -> memref<80xi32, #tpu.memory_space<vmem>>
    %dma_start3A_81 = arith.constant 0 : i32
    %dma_start3A_82 = arith.constant 0 : i32
    %dma_start3A_83 = tpu.memref_slice %arg3[%dma_start3A_81, %dma_start3A_82] : memref<100000x64xf32, #tpu.memory_space<hbm>> -> memref<100000x64xf32, #tpu.memory_space<hbm>>
    tpu.enqueue_indirect_dma source(%dma_start3A_83 : memref<100000x64xf32, #tpu.memory_space<hbm>>) target(%dma_start3A_77 : memref<80x64xf32, #tpu.memory_space<vmem>>) offsets(%dma_start3A_80 : memref<80xi32, #tpu.memory_space<vmem>>) semaphore(%arg7 : memref<!tpu.dma_semaphore, #tpu.memory_space<semaphore_mem>>)
    %dma_start3A_84 = arith.constant 7 : i32
    %dma_start3A_85 = arith.constant 7 : i32
    %dma_start3A_86 = arith.constant 0 : i32
    %dma_start3A_87 = arith.constant 0 : i32
    %dma_start3A_88 = tpu.memref_slice %arg6[%dma_start3A_85, %dma_start3A_86, %dma_start3A_87] : memref<20x80x64xf32, #tpu.memory_space<vmem>> -> memref<1x80x64xf32, #tpu.memory_space<vmem>>
    %dma_start3A_89 = tpu.memref_squeeze %dma_start3A_88 : memref<1x80x64xf32, #tpu.memory_space<vmem>> -> memref<80x64xf32, #tpu.memory_space<vmem>>
    %dma_start3A_90 = arith.constant 0 : i32
    %dma_start3A_91 = tpu.memref_slice %arg5[%dma_start3A_84, %dma_start3A_90] : memref<20x80xi32, #tpu.memory_space<vmem>> -> memref<1x80xi32, #tpu.memory_space<vmem>>
    %dma_start3A_92 = tpu.memref_squeeze %dma_start3A_91 : memref<1x80xi32, #tpu.memory_space<vmem>> -> memref<80xi32, #tpu.memory_space<vmem>>
    %dma_start3A_93 = arith.constant 0 : i32
    %dma_start3A_94 = arith.constant 0 : i32
    %dma_start3A_95 = tpu.memref_slice %arg3[%dma_start3A_93, %dma_start3A_94] : memref<100000x64xf32, #tpu.memory_space<hbm>> -> memref<100000x64xf32, #tpu.memory_space<hbm>>
    tpu.enqueue_indirect_dma source(%dma_start3A_95 : memref<100000x64xf32, #tpu.memory_space<hbm>>) target(%dma_start3A_89 : memref<80x64xf32, #tpu.memory_space<vmem>>) offsets(%dma_start3A_92 : memref<80xi32, #tpu.memory_space<vmem>>) semaphore(%arg7 : memref<!tpu.dma_semaphore, #tpu.memory_space<semaphore_mem>>)
    %dma_start3A_96 = arith.constant 8 : i32
    %dma_start3A_97 = arith.constant 8 : i32
    %dma_start3A_98 = arith.constant 0 : i32
    %dma_start3A_99 = arith.constant 0 : i32
    %dma_start3A_100 = tpu.memref_slice %arg6[%dma_start3A_97, %dma_start3A_98, %dma_start3A_99] : memref<20x80x64xf32, #tpu.memory_space<vmem>> -> memref<1x80x64xf32, #tpu.memory_space<vmem>>
    %dma_start3A_101 = tpu.memref_squeeze %dma_start3A_100 : memref<1x80x64xf32, #tpu.memory_space<vmem>> -> memref<80x64xf32, #tpu.memory_space<vmem>>
    %dma_start3A_102 = arith.constant 0 : i32
    %dma_start3A_103 = tpu.memref_slice %arg5[%dma_start3A_96, %dma_start3A_102] : memref<20x80xi32, #tpu.memory_space<vmem>> -> memref<1x80xi32, #tpu.memory_space<vmem>>
    %dma_start3A_104 = tpu.memref_squeeze %dma_start3A_103 : memref<1x80xi32, #tpu.memory_space<vmem>> -> memref<80xi32, #tpu.memory_space<vmem>>
    %dma_start3A_105 = arith.constant 0 : i32
    %dma_start3A_106 = arith.constant 0 : i32
    %dma_start3A_107 = tpu.memref_slice %arg3[%dma_start3A_105, %dma_start3A_106] : memref<100000x64xf32, #tpu.memory_space<hbm>> -> memref<100000x64xf32, #tpu.memory_space<hbm>>
    tpu.enqueue_indirect_dma source(%dma_start3A_107 : memref<100000x64xf32, #tpu.memory_space<hbm>>) target(%dma_start3A_101 : memref<80x64xf32, #tpu.memory_space<vmem>>) offsets(%dma_start3A_104 : memref<80xi32, #tpu.memory_space<vmem>>) semaphore(%arg7 : memref<!tpu.dma_semaphore, #tpu.memory_space<semaphore_mem>>)
    %dma_start3A_108 = arith.constant 9 : i32
    %dma_start3A_109 = arith.constant 9 : i32
    %dma_start3A_110 = arith.constant 0 : i32
    %dma_start3A_111 = arith.constant 0 : i32
    %dma_start3A_112 = tpu.memref_slice %arg6[%dma_start3A_109, %dma_start3A_110, %dma_start3A_111] : memref<20x80x64xf32, #tpu.memory_space<vmem>> -> memref<1x80x64xf32, #tpu.memory_space<vmem>>
    %dma_start3A_113 = tpu.memref_squeeze %dma_start3A_112 : memref<1x80x64xf32, #tpu.memory_space<vmem>> -> memref<80x64xf32, #tpu.memory_space<vmem>>
    %dma_start3A_114 = arith.constant 0 : i32
    %dma_start3A_115 = tpu.memref_slice %arg5[%dma_start3A_108, %dma_start3A_114] : memref<20x80xi32, #tpu.memory_space<vmem>> -> memref<1x80xi32, #tpu.memory_space<vmem>>
    %dma_start3A_116 = tpu.memref_squeeze %dma_start3A_115 : memref<1x80xi32, #tpu.memory_space<vmem>> -> memref<80xi32, #tpu.memory_space<vmem>>
    %dma_start3A_117 = arith.constant 0 : i32
    %dma_start3A_118 = arith.constant 0 : i32
    %dma_start3A_119 = tpu.memref_slice %arg3[%dma_start3A_117, %dma_start3A_118] : memref<100000x64xf32, #tpu.memory_space<hbm>> -> memref<100000x64xf32, #tpu.memory_space<hbm>>
    tpu.enqueue_indirect_dma source(%dma_start3A_119 : memref<100000x64xf32, #tpu.memory_space<hbm>>) target(%dma_start3A_113 : memref<80x64xf32, #tpu.memory_space<vmem>>) offsets(%dma_start3A_116 : memref<80xi32, #tpu.memory_space<vmem>>) semaphore(%arg7 : memref<!tpu.dma_semaphore, #tpu.memory_space<semaphore_mem>>)
    %dma_start3A_120 = arith.constant 10 : i32
    %dma_start3A_121 = arith.constant 10 : i32
    %dma_start3A_122 = arith.constant 0 : i32
    %dma_start3A_123 = arith.constant 0 : i32
    %dma_start3A_124 = tpu.memref_slice %arg6[%dma_start3A_121, %dma_start3A_122, %dma_start3A_123] : memref<20x80x64xf32, #tpu.memory_space<vmem>> -> memref<1x80x64xf32, #tpu.memory_space<vmem>>
    %dma_start3A_125 = tpu.memref_squeeze %dma_start3A_124 : memref<1x80x64xf32, #tpu.memory_space<vmem>> -> memref<80x64xf32, #tpu.memory_space<vmem>>
    %dma_start3A_126 = arith.constant 0 : i32
    %dma_start3A_127 = tpu.memref_slice %arg5[%dma_start3A_120, %dma_start3A_126] : memref<20x80xi32, #tpu.memory_space<vmem>> -> memref<1x80xi32, #tpu.memory_space<vmem>>
    %dma_start3A_128 = tpu.memref_squeeze %dma_start3A_127 : memref<1x80xi32, #tpu.memory_space<vmem>> -> memref<80xi32, #tpu.memory_space<vmem>>
    %dma_start3A_129 = arith.constant 0 : i32
    %dma_start3A_130 = arith.constant 0 : i32
    %dma_start3A_131 = tpu.memref_slice %arg3[%dma_start3A_129, %dma_start3A_130] : memref<100000x64xf32, #tpu.memory_space<hbm>> -> memref<100000x64xf32, #tpu.memory_space<hbm>>
    tpu.enqueue_indirect_dma source(%dma_start3A_131 : memref<100000x64xf32, #tpu.memory_space<hbm>>) target(%dma_start3A_125 : memref<80x64xf32, #tpu.memory_space<vmem>>) offsets(%dma_start3A_128 : memref<80xi32, #tpu.memory_space<vmem>>) semaphore(%arg7 : memref<!tpu.dma_semaphore, #tpu.memory_space<semaphore_mem>>)
    %dma_start3A_132 = arith.constant 11 : i32
    %dma_start3A_133 = arith.constant 11 : i32
    %dma_start3A_134 = arith.constant 0 : i32
    %dma_start3A_135 = arith.constant 0 : i32
    %dma_start3A_136 = tpu.memref_slice %arg6[%dma_start3A_133, %dma_start3A_134, %dma_start3A_135] : memref<20x80x64xf32, #tpu.memory_space<vmem>> -> memref<1x80x64xf32, #tpu.memory_space<vmem>>
    %dma_start3A_137 = tpu.memref_squeeze %dma_start3A_136 : memref<1x80x64xf32, #tpu.memory_space<vmem>> -> memref<80x64xf32, #tpu.memory_space<vmem>>
    %dma_start3A_138 = arith.constant 0 : i32
    %dma_start3A_139 = tpu.memref_slice %arg5[%dma_start3A_132, %dma_start3A_138] : memref<20x80xi32, #tpu.memory_space<vmem>> -> memref<1x80xi32, #tpu.memory_space<vmem>>
    %dma_start3A_140 = tpu.memref_squeeze %dma_start3A_139 : memref<1x80xi32, #tpu.memory_space<vmem>> -> memref<80xi32, #tpu.memory_space<vmem>>
    %dma_start3A_141 = arith.constant 0 : i32
    %dma_start3A_142 = arith.constant 0 : i32
    %dma_start3A_143 = tpu.memref_slice %arg3[%dma_start3A_141, %dma_start3A_142] : memref<100000x64xf32, #tpu.memory_space<hbm>> -> memref<100000x64xf32, #tpu.memory_space<hbm>>
    tpu.enqueue_indirect_dma source(%dma_start3A_143 : memref<100000x64xf32, #tpu.memory_space<hbm>>) target(%dma_start3A_137 : memref<80x64xf32, #tpu.memory_space<vmem>>) offsets(%dma_start3A_140 : memref<80xi32, #tpu.memory_space<vmem>>) semaphore(%arg7 : memref<!tpu.dma_semaphore, #tpu.memory_space<semaphore_mem>>)
    %dma_start3A_144 = arith.constant 12 : i32
    %dma_start3A_145 = arith.constant 12 : i32
    %dma_start3A_146 = arith.constant 0 : i32
    %dma_start3A_147 = arith.constant 0 : i32
    %dma_start3A_148 = tpu.memref_slice %arg6[%dma_start3A_145, %dma_start3A_146, %dma_start3A_147] : memref<20x80x64xf32, #tpu.memory_space<vmem>> -> memref<1x80x64xf32, #tpu.memory_space<vmem>>
    %dma_start3A_149 = tpu.memref_squeeze %dma_start3A_148 : memref<1x80x64xf32, #tpu.memory_space<vmem>> -> memref<80x64xf32, #tpu.memory_space<vmem>>
    %dma_start3A_150 = arith.constant 0 : i32
    %dma_start3A_151 = tpu.memref_slice %arg5[%dma_start3A_144, %dma_start3A_150] : memref<20x80xi32, #tpu.memory_space<vmem>> -> memref<1x80xi32, #tpu.memory_space<vmem>>
    %dma_start3A_152 = tpu.memref_squeeze %dma_start3A_151 : memref<1x80xi32, #tpu.memory_space<vmem>> -> memref<80xi32, #tpu.memory_space<vmem>>
    %dma_start3A_153 = arith.constant 0 : i32
    %dma_start3A_154 = arith.constant 0 : i32
    %dma_start3A_155 = tpu.memref_slice %arg3[%dma_start3A_153, %dma_start3A_154] : memref<100000x64xf32, #tpu.memory_space<hbm>> -> memref<100000x64xf32, #tpu.memory_space<hbm>>
    tpu.enqueue_indirect_dma source(%dma_start3A_155 : memref<100000x64xf32, #tpu.memory_space<hbm>>) target(%dma_start3A_149 : memref<80x64xf32, #tpu.memory_space<vmem>>) offsets(%dma_start3A_152 : memref<80xi32, #tpu.memory_space<vmem>>) semaphore(%arg7 : memref<!tpu.dma_semaphore, #tpu.memory_space<semaphore_mem>>)
    %dma_start3A_156 = arith.constant 13 : i32
    %dma_start3A_157 = arith.constant 13 : i32
    %dma_start3A_158 = arith.constant 0 : i32
    %dma_start3A_159 = arith.constant 0 : i32
    %dma_start3A_160 = tpu.memref_slice %arg6[%dma_start3A_157, %dma_start3A_158, %dma_start3A_159] : memref<20x80x64xf32, #tpu.memory_space<vmem>> -> memref<1x80x64xf32, #tpu.memory_space<vmem>>
    %dma_start3A_161 = tpu.memref_squeeze %dma_start3A_160 : memref<1x80x64xf32, #tpu.memory_space<vmem>> -> memref<80x64xf32, #tpu.memory_space<vmem>>
    %dma_start3A_162 = arith.constant 0 : i32
    %dma_start3A_163 = tpu.memref_slice %arg5[%dma_start3A_156, %dma_start3A_162] : memref<20x80xi32, #tpu.memory_space<vmem>> -> memref<1x80xi32, #tpu.memory_space<vmem>>
    %dma_start3A_164 = tpu.memref_squeeze %dma_start3A_163 : memref<1x80xi32, #tpu.memory_space<vmem>> -> memref<80xi32, #tpu.memory_space<vmem>>
    %dma_start3A_165 = arith.constant 0 : i32
    %dma_start3A_166 = arith.constant 0 : i32
    %dma_start3A_167 = tpu.memref_slice %arg3[%dma_start3A_165, %dma_start3A_166] : memref<100000x64xf32, #tpu.memory_space<hbm>> -> memref<100000x64xf32, #tpu.memory_space<hbm>>
    tpu.enqueue_indirect_dma source(%dma_start3A_167 : memref<100000x64xf32, #tpu.memory_space<hbm>>) target(%dma_start3A_161 : memref<80x64xf32, #tpu.memory_space<vmem>>) offsets(%dma_start3A_164 : memref<80xi32, #tpu.memory_space<vmem>>) semaphore(%arg7 : memref<!tpu.dma_semaphore, #tpu.memory_space<semaphore_mem>>)
    %dma_start3A_168 = arith.constant 14 : i32
    %dma_start3A_169 = arith.constant 14 : i32
    %dma_start3A_170 = arith.constant 0 : i32
    %dma_start3A_171 = arith.constant 0 : i32
    %dma_start3A_172 = tpu.memref_slice %arg6[%dma_start3A_169, %dma_start3A_170, %dma_start3A_171] : memref<20x80x64xf32, #tpu.memory_space<vmem>> -> memref<1x80x64xf32, #tpu.memory_space<vmem>>
    %dma_start3A_173 = tpu.memref_squeeze %dma_start3A_172 : memref<1x80x64xf32, #tpu.memory_space<vmem>> -> memref<80x64xf32, #tpu.memory_space<vmem>>
    %dma_start3A_174 = arith.constant 0 : i32
    %dma_start3A_175 = tpu.memref_slice %arg5[%dma_start3A_168, %dma_start3A_174] : memref<20x80xi32, #tpu.memory_space<vmem>> -> memref<1x80xi32, #tpu.memory_space<vmem>>
    %dma_start3A_176 = tpu.memref_squeeze %dma_start3A_175 : memref<1x80xi32, #tpu.memory_space<vmem>> -> memref<80xi32, #tpu.memory_space<vmem>>
    %dma_start3A_177 = arith.constant 0 : i32
    %dma_start3A_178 = arith.constant 0 : i32
    %dma_start3A_179 = tpu.memref_slice %arg3[%dma_start3A_177, %dma_start3A_178] : memref<100000x64xf32, #tpu.memory_space<hbm>> -> memref<100000x64xf32, #tpu.memory_space<hbm>>
    tpu.enqueue_indirect_dma source(%dma_start3A_179 : memref<100000x64xf32, #tpu.memory_space<hbm>>) target(%dma_start3A_173 : memref<80x64xf32, #tpu.memory_space<vmem>>) offsets(%dma_start3A_176 : memref<80xi32, #tpu.memory_space<vmem>>) semaphore(%arg7 : memref<!tpu.dma_semaphore, #tpu.memory_space<semaphore_mem>>)
    %dma_start3A_180 = arith.constant 15 : i32
    %dma_start3A_181 = arith.constant 15 : i32
    %dma_start3A_182 = arith.constant 0 : i32
    %dma_start3A_183 = arith.constant 0 : i32
    %dma_start3A_184 = tpu.memref_slice %arg6[%dma_start3A_181, %dma_start3A_182, %dma_start3A_183] : memref<20x80x64xf32, #tpu.memory_space<vmem>> -> memref<1x80x64xf32, #tpu.memory_space<vmem>>
    %dma_start3A_185 = tpu.memref_squeeze %dma_start3A_184 : memref<1x80x64xf32, #tpu.memory_space<vmem>> -> memref<80x64xf32, #tpu.memory_space<vmem>>
    %dma_start3A_186 = arith.constant 0 : i32
    %dma_start3A_187 = tpu.memref_slice %arg5[%dma_start3A_180, %dma_start3A_186] : memref<20x80xi32, #tpu.memory_space<vmem>> -> memref<1x80xi32, #tpu.memory_space<vmem>>
    %dma_start3A_188 = tpu.memref_squeeze %dma_start3A_187 : memref<1x80xi32, #tpu.memory_space<vmem>> -> memref<80xi32, #tpu.memory_space<vmem>>
    %dma_start3A_189 = arith.constant 0 : i32
    %dma_start3A_190 = arith.constant 0 : i32
    %dma_start3A_191 = tpu.memref_slice %arg3[%dma_start3A_189, %dma_start3A_190] : memref<100000x64xf32, #tpu.memory_space<hbm>> -> memref<100000x64xf32, #tpu.memory_space<hbm>>
    tpu.enqueue_indirect_dma source(%dma_start3A_191 : memref<100000x64xf32, #tpu.memory_space<hbm>>) target(%dma_start3A_185 : memref<80x64xf32, #tpu.memory_space<vmem>>) offsets(%dma_start3A_188 : memref<80xi32, #tpu.memory_space<vmem>>) semaphore(%arg7 : memref<!tpu.dma_semaphore, #tpu.memory_space<semaphore_mem>>)
    %dma_start3A_192 = arith.constant 16 : i32
    %dma_start3A_193 = arith.constant 16 : i32
    %dma_start3A_194 = arith.constant 0 : i32
    %dma_start3A_195 = arith.constant 0 : i32
    %dma_start3A_196 = tpu.memref_slice %arg6[%dma_start3A_193, %dma_start3A_194, %dma_start3A_195] : memref<20x80x64xf32, #tpu.memory_space<vmem>> -> memref<1x80x64xf32, #tpu.memory_space<vmem>>
    %dma_start3A_197 = tpu.memref_squeeze %dma_start3A_196 : memref<1x80x64xf32, #tpu.memory_space<vmem>> -> memref<80x64xf32, #tpu.memory_space<vmem>>
    %dma_start3A_198 = arith.constant 0 : i32
    %dma_start3A_199 = tpu.memref_slice %arg5[%dma_start3A_192, %dma_start3A_198] : memref<20x80xi32, #tpu.memory_space<vmem>> -> memref<1x80xi32, #tpu.memory_space<vmem>>
    %dma_start3A_200 = tpu.memref_squeeze %dma_start3A_199 : memref<1x80xi32, #tpu.memory_space<vmem>> -> memref<80xi32, #tpu.memory_space<vmem>>
    %dma_start3A_201 = arith.constant 0 : i32
    %dma_start3A_202 = arith.constant 0 : i32
    %dma_start3A_203 = tpu.memref_slice %arg3[%dma_start3A_201, %dma_start3A_202] : memref<100000x64xf32, #tpu.memory_space<hbm>> -> memref<100000x64xf32, #tpu.memory_space<hbm>>
    tpu.enqueue_indirect_dma source(%dma_start3A_203 : memref<100000x64xf32, #tpu.memory_space<hbm>>) target(%dma_start3A_197 : memref<80x64xf32, #tpu.memory_space<vmem>>) offsets(%dma_start3A_200 : memref<80xi32, #tpu.memory_space<vmem>>) semaphore(%arg7 : memref<!tpu.dma_semaphore, #tpu.memory_space<semaphore_mem>>)
    %dma_start3A_204 = arith.constant 17 : i32
    %dma_start3A_205 = arith.constant 17 : i32
    %dma_start3A_206 = arith.constant 0 : i32
    %dma_start3A_207 = arith.constant 0 : i32
    %dma_start3A_208 = tpu.memref_slice %arg6[%dma_start3A_205, %dma_start3A_206, %dma_start3A_207] : memref<20x80x64xf32, #tpu.memory_space<vmem>> -> memref<1x80x64xf32, #tpu.memory_space<vmem>>
    %dma_start3A_209 = tpu.memref_squeeze %dma_start3A_208 : memref<1x80x64xf32, #tpu.memory_space<vmem>> -> memref<80x64xf32, #tpu.memory_space<vmem>>
    %dma_start3A_210 = arith.constant 0 : i32
    %dma_start3A_211 = tpu.memref_slice %arg5[%dma_start3A_204, %dma_start3A_210] : memref<20x80xi32, #tpu.memory_space<vmem>> -> memref<1x80xi32, #tpu.memory_space<vmem>>
    %dma_start3A_212 = tpu.memref_squeeze %dma_start3A_211 : memref<1x80xi32, #tpu.memory_space<vmem>> -> memref<80xi32, #tpu.memory_space<vmem>>
    %dma_start3A_213 = arith.constant 0 : i32
    %dma_start3A_214 = arith.constant 0 : i32
    %dma_start3A_215 = tpu.memref_slice %arg3[%dma_start3A_213, %dma_start3A_214] : memref<100000x64xf32, #tpu.memory_space<hbm>> -> memref<100000x64xf32, #tpu.memory_space<hbm>>
    tpu.enqueue_indirect_dma source(%dma_start3A_215 : memref<100000x64xf32, #tpu.memory_space<hbm>>) target(%dma_start3A_209 : memref<80x64xf32, #tpu.memory_space<vmem>>) offsets(%dma_start3A_212 : memref<80xi32, #tpu.memory_space<vmem>>) semaphore(%arg7 : memref<!tpu.dma_semaphore, #tpu.memory_space<semaphore_mem>>)
    %dma_start3A_216 = arith.constant 18 : i32
    %dma_start3A_217 = arith.constant 18 : i32
    %dma_start3A_218 = arith.constant 0 : i32
    %dma_start3A_219 = arith.constant 0 : i32
    %dma_start3A_220 = tpu.memref_slice %arg6[%dma_start3A_217, %dma_start3A_218, %dma_start3A_219] : memref<20x80x64xf32, #tpu.memory_space<vmem>> -> memref<1x80x64xf32, #tpu.memory_space<vmem>>
    %dma_start3A_221 = tpu.memref_squeeze %dma_start3A_220 : memref<1x80x64xf32, #tpu.memory_space<vmem>> -> memref<80x64xf32, #tpu.memory_space<vmem>>
    %dma_start3A_222 = arith.constant 0 : i32
    %dma_start3A_223 = tpu.memref_slice %arg5[%dma_start3A_216, %dma_start3A_222] : memref<20x80xi32, #tpu.memory_space<vmem>> -> memref<1x80xi32, #tpu.memory_space<vmem>>
    %dma_start3A_224 = tpu.memref_squeeze %dma_start3A_223 : memref<1x80xi32, #tpu.memory_space<vmem>> -> memref<80xi32, #tpu.memory_space<vmem>>
    %dma_start3A_225 = arith.constant 0 : i32
    %dma_start3A_226 = arith.constant 0 : i32
    %dma_start3A_227 = tpu.memref_slice %arg3[%dma_start3A_225, %dma_start3A_226] : memref<100000x64xf32, #tpu.memory_space<hbm>> -> memref<100000x64xf32, #tpu.memory_space<hbm>>
    tpu.enqueue_indirect_dma source(%dma_start3A_227 : memref<100000x64xf32, #tpu.memory_space<hbm>>) target(%dma_start3A_221 : memref<80x64xf32, #tpu.memory_space<vmem>>) offsets(%dma_start3A_224 : memref<80xi32, #tpu.memory_space<vmem>>) semaphore(%arg7 : memref<!tpu.dma_semaphore, #tpu.memory_space<semaphore_mem>>)
    %dma_start3A_228 = arith.constant 19 : i32
    %dma_start3A_229 = arith.constant 19 : i32
    %dma_start3A_230 = arith.constant 0 : i32
    %dma_start3A_231 = arith.constant 0 : i32
    %dma_start3A_232 = tpu.memref_slice %arg6[%dma_start3A_229, %dma_start3A_230, %dma_start3A_231] : memref<20x80x64xf32, #tpu.memory_space<vmem>> -> memref<1x80x64xf32, #tpu.memory_space<vmem>>
    %dma_start3A_233 = tpu.memref_squeeze %dma_start3A_232 : memref<1x80x64xf32, #tpu.memory_space<vmem>> -> memref<80x64xf32, #tpu.memory_space<vmem>>
    %dma_start3A_234 = arith.constant 0 : i32
    %dma_start3A_235 = tpu.memref_slice %arg5[%dma_start3A_228, %dma_start3A_234] : memref<20x80xi32, #tpu.memory_space<vmem>> -> memref<1x80xi32, #tpu.memory_space<vmem>>
    %dma_start3A_236 = tpu.memref_squeeze %dma_start3A_235 : memref<1x80xi32, #tpu.memory_space<vmem>> -> memref<80xi32, #tpu.memory_space<vmem>>
    %dma_start3A_237 = arith.constant 0 : i32
    %dma_start3A_238 = arith.constant 0 : i32
    %dma_start3A_239 = tpu.memref_slice %arg3[%dma_start3A_237, %dma_start3A_238] : memref<100000x64xf32, #tpu.memory_space<hbm>> -> memref<100000x64xf32, #tpu.memory_space<hbm>>
    tpu.enqueue_indirect_dma source(%dma_start3A_239 : memref<100000x64xf32, #tpu.memory_space<hbm>>) target(%dma_start3A_233 : memref<80x64xf32, #tpu.memory_space<vmem>>) offsets(%dma_start3A_236 : memref<80xi32, #tpu.memory_space<vmem>>) semaphore(%arg7 : memref<!tpu.dma_semaphore, #tpu.memory_space<semaphore_mem>>)
    %dma_wait3A = arith.constant 0 : i32
    %dma_wait3A_240 = arith.constant 0 : i32
    %dma_wait3A_241 = arith.constant 0 : i32
    %dma_wait3A_242 = arith.constant 0 : i32
    %dma_wait3A_243 = tpu.memref_slice %arg6[%dma_wait3A_240, %dma_wait3A_241, %dma_wait3A_242] : memref<20x80x64xf32, #tpu.memory_space<vmem>> -> memref<1x80x64xf32, #tpu.memory_space<vmem>>
    %dma_wait3A_244 = tpu.memref_squeeze %dma_wait3A_243 : memref<1x80x64xf32, #tpu.memory_space<vmem>> -> memref<80x64xf32, #tpu.memory_space<vmem>>
    %dma_wait3A_245 = arith.constant 0 : i32
    %dma_wait3A_246 = tpu.memref_slice %arg5[%dma_wait3A, %dma_wait3A_245] : memref<20x80xi32, #tpu.memory_space<vmem>> -> memref<1x80xi32, #tpu.memory_space<vmem>>
    %dma_wait3A_247 = tpu.memref_squeeze %dma_wait3A_246 : memref<1x80xi32, #tpu.memory_space<vmem>> -> memref<80xi32, #tpu.memory_space<vmem>>
    %dma_wait3A_248 = arith.constant 0 : i32
    %dma_wait3A_249 = arith.constant 0 : i32
    %dma_wait3A_250 = tpu.memref_slice %arg3[%dma_wait3A_248, %dma_wait3A_249] : memref<100000x64xf32, #tpu.memory_space<hbm>> -> memref<100000x64xf32, #tpu.memory_space<hbm>>
    tpu.wait_indirect_dma semaphore(%arg7 : memref<!tpu.dma_semaphore, #tpu.memory_space<semaphore_mem>>) src(%dma_wait3A_250 : memref<100000x64xf32, #tpu.memory_space<hbm>>) dst(%dma_wait3A_244 : memref<80x64xf32, #tpu.memory_space<vmem>>)
    %dma_wait3A_251 = arith.constant 1 : i32
    %dma_wait3A_252 = arith.constant 1 : i32
    %dma_wait3A_253 = arith.constant 0 : i32
    %dma_wait3A_254 = arith.constant 0 : i32
    %dma_wait3A_255 = tpu.memref_slice %arg6[%dma_wait3A_252, %dma_wait3A_253, %dma_wait3A_254] : memref<20x80x64xf32, #tpu.memory_space<vmem>> -> memref<1x80x64xf32, #tpu.memory_space<vmem>>
    %dma_wait3A_256 = tpu.memref_squeeze %dma_wait3A_255 : memref<1x80x64xf32, #tpu.memory_space<vmem>> -> memref<80x64xf32, #tpu.memory_space<vmem>>
    %dma_wait3A_257 = arith.constant 0 : i32
    %dma_wait3A_258 = tpu.memref_slice %arg5[%dma_wait3A_251, %dma_wait3A_257] : memref<20x80xi32, #tpu.memory_space<vmem>> -> memref<1x80xi32, #tpu.memory_space<vmem>>
    %dma_wait3A_259 = tpu.memref_squeeze %dma_wait3A_258 : memref<1x80xi32, #tpu.memory_space<vmem>> -> memref<80xi32, #tpu.memory_space<vmem>>
    %dma_wait3A_260 = arith.constant 0 : i32
    %dma_wait3A_261 = arith.constant 0 : i32
    %dma_wait3A_262 = tpu.memref_slice %arg3[%dma_wait3A_260, %dma_wait3A_261] : memref<100000x64xf32, #tpu.memory_space<hbm>> -> memref<100000x64xf32, #tpu.memory_space<hbm>>
    tpu.wait_indirect_dma semaphore(%arg7 : memref<!tpu.dma_semaphore, #tpu.memory_space<semaphore_mem>>) src(%dma_wait3A_262 : memref<100000x64xf32, #tpu.memory_space<hbm>>) dst(%dma_wait3A_256 : memref<80x64xf32, #tpu.memory_space<vmem>>)
    %dma_wait3A_263 = arith.constant 2 : i32
    %dma_wait3A_264 = arith.constant 2 : i32
    %dma_wait3A_265 = arith.constant 0 : i32
    %dma_wait3A_266 = arith.constant 0 : i32
    %dma_wait3A_267 = tpu.memref_slice %arg6[%dma_wait3A_264, %dma_wait3A_265, %dma_wait3A_266] : memref<20x80x64xf32, #tpu.memory_space<vmem>> -> memref<1x80x64xf32, #tpu.memory_space<vmem>>
    %dma_wait3A_268 = tpu.memref_squeeze %dma_wait3A_267 : memref<1x80x64xf32, #tpu.memory_space<vmem>> -> memref<80x64xf32, #tpu.memory_space<vmem>>
    %dma_wait3A_269 = arith.constant 0 : i32
    %dma_wait3A_270 = tpu.memref_slice %arg5[%dma_wait3A_263, %dma_wait3A_269] : memref<20x80xi32, #tpu.memory_space<vmem>> -> memref<1x80xi32, #tpu.memory_space<vmem>>
    %dma_wait3A_271 = tpu.memref_squeeze %dma_wait3A_270 : memref<1x80xi32, #tpu.memory_space<vmem>> -> memref<80xi32, #tpu.memory_space<vmem>>
    %dma_wait3A_272 = arith.constant 0 : i32
    %dma_wait3A_273 = arith.constant 0 : i32
    %dma_wait3A_274 = tpu.memref_slice %arg3[%dma_wait3A_272, %dma_wait3A_273] : memref<100000x64xf32, #tpu.memory_space<hbm>> -> memref<100000x64xf32, #tpu.memory_space<hbm>>
    tpu.wait_indirect_dma semaphore(%arg7 : memref<!tpu.dma_semaphore, #tpu.memory_space<semaphore_mem>>) src(%dma_wait3A_274 : memref<100000x64xf32, #tpu.memory_space<hbm>>) dst(%dma_wait3A_268 : memref<80x64xf32, #tpu.memory_space<vmem>>)
    %dma_wait3A_275 = arith.constant 3 : i32
    %dma_wait3A_276 = arith.constant 3 : i32
    %dma_wait3A_277 = arith.constant 0 : i32
    %dma_wait3A_278 = arith.constant 0 : i32
    %dma_wait3A_279 = tpu.memref_slice %arg6[%dma_wait3A_276, %dma_wait3A_277, %dma_wait3A_278] : memref<20x80x64xf32, #tpu.memory_space<vmem>> -> memref<1x80x64xf32, #tpu.memory_space<vmem>>
    %dma_wait3A_280 = tpu.memref_squeeze %dma_wait3A_279 : memref<1x80x64xf32, #tpu.memory_space<vmem>> -> memref<80x64xf32, #tpu.memory_space<vmem>>
    %dma_wait3A_281 = arith.constant 0 : i32
    %dma_wait3A_282 = tpu.memref_slice %arg5[%dma_wait3A_275, %dma_wait3A_281] : memref<20x80xi32, #tpu.memory_space<vmem>> -> memref<1x80xi32, #tpu.memory_space<vmem>>
    %dma_wait3A_283 = tpu.memref_squeeze %dma_wait3A_282 : memref<1x80xi32, #tpu.memory_space<vmem>> -> memref<80xi32, #tpu.memory_space<vmem>>
    %dma_wait3A_284 = arith.constant 0 : i32
    %dma_wait3A_285 = arith.constant 0 : i32
    %dma_wait3A_286 = tpu.memref_slice %arg3[%dma_wait3A_284, %dma_wait3A_285] : memref<100000x64xf32, #tpu.memory_space<hbm>> -> memref<100000x64xf32, #tpu.memory_space<hbm>>
    tpu.wait_indirect_dma semaphore(%arg7 : memref<!tpu.dma_semaphore, #tpu.memory_space<semaphore_mem>>) src(%dma_wait3A_286 : memref<100000x64xf32, #tpu.memory_space<hbm>>) dst(%dma_wait3A_280 : memref<80x64xf32, #tpu.memory_space<vmem>>)
    %dma_wait3A_287 = arith.constant 4 : i32
    %dma_wait3A_288 = arith.constant 4 : i32
    %dma_wait3A_289 = arith.constant 0 : i32
    %dma_wait3A_290 = arith.constant 0 : i32
    %dma_wait3A_291 = tpu.memref_slice %arg6[%dma_wait3A_288, %dma_wait3A_289, %dma_wait3A_290] : memref<20x80x64xf32, #tpu.memory_space<vmem>> -> memref<1x80x64xf32, #tpu.memory_space<vmem>>
    %dma_wait3A_292 = tpu.memref_squeeze %dma_wait3A_291 : memref<1x80x64xf32, #tpu.memory_space<vmem>> -> memref<80x64xf32, #tpu.memory_space<vmem>>
    %dma_wait3A_293 = arith.constant 0 : i32
    %dma_wait3A_294 = tpu.memref_slice %arg5[%dma_wait3A_287, %dma_wait3A_293] : memref<20x80xi32, #tpu.memory_space<vmem>> -> memref<1x80xi32, #tpu.memory_space<vmem>>
    %dma_wait3A_295 = tpu.memref_squeeze %dma_wait3A_294 : memref<1x80xi32, #tpu.memory_space<vmem>> -> memref<80xi32, #tpu.memory_space<vmem>>
    %dma_wait3A_296 = arith.constant 0 : i32
    %dma_wait3A_297 = arith.constant 0 : i32
    %dma_wait3A_298 = tpu.memref_slice %arg3[%dma_wait3A_296, %dma_wait3A_297] : memref<100000x64xf32, #tpu.memory_space<hbm>> -> memref<100000x64xf32, #tpu.memory_space<hbm>>
    tpu.wait_indirect_dma semaphore(%arg7 : memref<!tpu.dma_semaphore, #tpu.memory_space<semaphore_mem>>) src(%dma_wait3A_298 : memref<100000x64xf32, #tpu.memory_space<hbm>>) dst(%dma_wait3A_292 : memref<80x64xf32, #tpu.memory_space<vmem>>)
    %dma_wait3A_299 = arith.constant 5 : i32
    %dma_wait3A_300 = arith.constant 5 : i32
    %dma_wait3A_301 = arith.constant 0 : i32
    %dma_wait3A_302 = arith.constant 0 : i32
    %dma_wait3A_303 = tpu.memref_slice %arg6[%dma_wait3A_300, %dma_wait3A_301, %dma_wait3A_302] : memref<20x80x64xf32, #tpu.memory_space<vmem>> -> memref<1x80x64xf32, #tpu.memory_space<vmem>>
    %dma_wait3A_304 = tpu.memref_squeeze %dma_wait3A_303 : memref<1x80x64xf32, #tpu.memory_space<vmem>> -> memref<80x64xf32, #tpu.memory_space<vmem>>
    %dma_wait3A_305 = arith.constant 0 : i32
    %dma_wait3A_306 = tpu.memref_slice %arg5[%dma_wait3A_299, %dma_wait3A_305] : memref<20x80xi32, #tpu.memory_space<vmem>> -> memref<1x80xi32, #tpu.memory_space<vmem>>
    %dma_wait3A_307 = tpu.memref_squeeze %dma_wait3A_306 : memref<1x80xi32, #tpu.memory_space<vmem>> -> memref<80xi32, #tpu.memory_space<vmem>>
    %dma_wait3A_308 = arith.constant 0 : i32
    %dma_wait3A_309 = arith.constant 0 : i32
    %dma_wait3A_310 = tpu.memref_slice %arg3[%dma_wait3A_308, %dma_wait3A_309] : memref<100000x64xf32, #tpu.memory_space<hbm>> -> memref<100000x64xf32, #tpu.memory_space<hbm>>
    tpu.wait_indirect_dma semaphore(%arg7 : memref<!tpu.dma_semaphore, #tpu.memory_space<semaphore_mem>>) src(%dma_wait3A_310 : memref<100000x64xf32, #tpu.memory_space<hbm>>) dst(%dma_wait3A_304 : memref<80x64xf32, #tpu.memory_space<vmem>>)
    %dma_wait3A_311 = arith.constant 6 : i32
    %dma_wait3A_312 = arith.constant 6 : i32
    %dma_wait3A_313 = arith.constant 0 : i32
    %dma_wait3A_314 = arith.constant 0 : i32
    %dma_wait3A_315 = tpu.memref_slice %arg6[%dma_wait3A_312, %dma_wait3A_313, %dma_wait3A_314] : memref<20x80x64xf32, #tpu.memory_space<vmem>> -> memref<1x80x64xf32, #tpu.memory_space<vmem>>
    %dma_wait3A_316 = tpu.memref_squeeze %dma_wait3A_315 : memref<1x80x64xf32, #tpu.memory_space<vmem>> -> memref<80x64xf32, #tpu.memory_space<vmem>>
    %dma_wait3A_317 = arith.constant 0 : i32
    %dma_wait3A_318 = tpu.memref_slice %arg5[%dma_wait3A_311, %dma_wait3A_317] : memref<20x80xi32, #tpu.memory_space<vmem>> -> memref<1x80xi32, #tpu.memory_space<vmem>>
    %dma_wait3A_319 = tpu.memref_squeeze %dma_wait3A_318 : memref<1x80xi32, #tpu.memory_space<vmem>> -> memref<80xi32, #tpu.memory_space<vmem>>
    %dma_wait3A_320 = arith.constant 0 : i32
    %dma_wait3A_321 = arith.constant 0 : i32
    %dma_wait3A_322 = tpu.memref_slice %arg3[%dma_wait3A_320, %dma_wait3A_321] : memref<100000x64xf32, #tpu.memory_space<hbm>> -> memref<100000x64xf32, #tpu.memory_space<hbm>>
    tpu.wait_indirect_dma semaphore(%arg7 : memref<!tpu.dma_semaphore, #tpu.memory_space<semaphore_mem>>) src(%dma_wait3A_322 : memref<100000x64xf32, #tpu.memory_space<hbm>>) dst(%dma_wait3A_316 : memref<80x64xf32, #tpu.memory_space<vmem>>)
    %dma_wait3A_323 = arith.constant 7 : i32
    %dma_wait3A_324 = arith.constant 7 : i32
    %dma_wait3A_325 = arith.constant 0 : i32
    %dma_wait3A_326 = arith.constant 0 : i32
    %dma_wait3A_327 = tpu.memref_slice %arg6[%dma_wait3A_324, %dma_wait3A_325, %dma_wait3A_326] : memref<20x80x64xf32, #tpu.memory_space<vmem>> -> memref<1x80x64xf32, #tpu.memory_space<vmem>>
    %dma_wait3A_328 = tpu.memref_squeeze %dma_wait3A_327 : memref<1x80x64xf32, #tpu.memory_space<vmem>> -> memref<80x64xf32, #tpu.memory_space<vmem>>
    %dma_wait3A_329 = arith.constant 0 : i32
    %dma_wait3A_330 = tpu.memref_slice %arg5[%dma_wait3A_323, %dma_wait3A_329] : memref<20x80xi32, #tpu.memory_space<vmem>> -> memref<1x80xi32, #tpu.memory_space<vmem>>
    %dma_wait3A_331 = tpu.memref_squeeze %dma_wait3A_330 : memref<1x80xi32, #tpu.memory_space<vmem>> -> memref<80xi32, #tpu.memory_space<vmem>>
    %dma_wait3A_332 = arith.constant 0 : i32
    %dma_wait3A_333 = arith.constant 0 : i32
    %dma_wait3A_334 = tpu.memref_slice %arg3[%dma_wait3A_332, %dma_wait3A_333] : memref<100000x64xf32, #tpu.memory_space<hbm>> -> memref<100000x64xf32, #tpu.memory_space<hbm>>
    tpu.wait_indirect_dma semaphore(%arg7 : memref<!tpu.dma_semaphore, #tpu.memory_space<semaphore_mem>>) src(%dma_wait3A_334 : memref<100000x64xf32, #tpu.memory_space<hbm>>) dst(%dma_wait3A_328 : memref<80x64xf32, #tpu.memory_space<vmem>>)
    %dma_wait3A_335 = arith.constant 8 : i32
    %dma_wait3A_336 = arith.constant 8 : i32
    %dma_wait3A_337 = arith.constant 0 : i32
    %dma_wait3A_338 = arith.constant 0 : i32
    %dma_wait3A_339 = tpu.memref_slice %arg6[%dma_wait3A_336, %dma_wait3A_337, %dma_wait3A_338] : memref<20x80x64xf32, #tpu.memory_space<vmem>> -> memref<1x80x64xf32, #tpu.memory_space<vmem>>
    %dma_wait3A_340 = tpu.memref_squeeze %dma_wait3A_339 : memref<1x80x64xf32, #tpu.memory_space<vmem>> -> memref<80x64xf32, #tpu.memory_space<vmem>>
    %dma_wait3A_341 = arith.constant 0 : i32
    %dma_wait3A_342 = tpu.memref_slice %arg5[%dma_wait3A_335, %dma_wait3A_341] : memref<20x80xi32, #tpu.memory_space<vmem>> -> memref<1x80xi32, #tpu.memory_space<vmem>>
    %dma_wait3A_343 = tpu.memref_squeeze %dma_wait3A_342 : memref<1x80xi32, #tpu.memory_space<vmem>> -> memref<80xi32, #tpu.memory_space<vmem>>
    %dma_wait3A_344 = arith.constant 0 : i32
    %dma_wait3A_345 = arith.constant 0 : i32
    %dma_wait3A_346 = tpu.memref_slice %arg3[%dma_wait3A_344, %dma_wait3A_345] : memref<100000x64xf32, #tpu.memory_space<hbm>> -> memref<100000x64xf32, #tpu.memory_space<hbm>>
    tpu.wait_indirect_dma semaphore(%arg7 : memref<!tpu.dma_semaphore, #tpu.memory_space<semaphore_mem>>) src(%dma_wait3A_346 : memref<100000x64xf32, #tpu.memory_space<hbm>>) dst(%dma_wait3A_340 : memref<80x64xf32, #tpu.memory_space<vmem>>)
    %dma_wait3A_347 = arith.constant 9 : i32
    %dma_wait3A_348 = arith.constant 9 : i32
    %dma_wait3A_349 = arith.constant 0 : i32
    %dma_wait3A_350 = arith.constant 0 : i32
    %dma_wait3A_351 = tpu.memref_slice %arg6[%dma_wait3A_348, %dma_wait3A_349, %dma_wait3A_350] : memref<20x80x64xf32, #tpu.memory_space<vmem>> -> memref<1x80x64xf32, #tpu.memory_space<vmem>>
    %dma_wait3A_352 = tpu.memref_squeeze %dma_wait3A_351 : memref<1x80x64xf32, #tpu.memory_space<vmem>> -> memref<80x64xf32, #tpu.memory_space<vmem>>
    %dma_wait3A_353 = arith.constant 0 : i32
    %dma_wait3A_354 = tpu.memref_slice %arg5[%dma_wait3A_347, %dma_wait3A_353] : memref<20x80xi32, #tpu.memory_space<vmem>> -> memref<1x80xi32, #tpu.memory_space<vmem>>
    %dma_wait3A_355 = tpu.memref_squeeze %dma_wait3A_354 : memref<1x80xi32, #tpu.memory_space<vmem>> -> memref<80xi32, #tpu.memory_space<vmem>>
    %dma_wait3A_356 = arith.constant 0 : i32
    %dma_wait3A_357 = arith.constant 0 : i32
    %dma_wait3A_358 = tpu.memref_slice %arg3[%dma_wait3A_356, %dma_wait3A_357] : memref<100000x64xf32, #tpu.memory_space<hbm>> -> memref<100000x64xf32, #tpu.memory_space<hbm>>
    tpu.wait_indirect_dma semaphore(%arg7 : memref<!tpu.dma_semaphore, #tpu.memory_space<semaphore_mem>>) src(%dma_wait3A_358 : memref<100000x64xf32, #tpu.memory_space<hbm>>) dst(%dma_wait3A_352 : memref<80x64xf32, #tpu.memory_space<vmem>>)
    %dma_wait3A_359 = arith.constant 10 : i32
    %dma_wait3A_360 = arith.constant 10 : i32
    %dma_wait3A_361 = arith.constant 0 : i32
    %dma_wait3A_362 = arith.constant 0 : i32
    %dma_wait3A_363 = tpu.memref_slice %arg6[%dma_wait3A_360, %dma_wait3A_361, %dma_wait3A_362] : memref<20x80x64xf32, #tpu.memory_space<vmem>> -> memref<1x80x64xf32, #tpu.memory_space<vmem>>
    %dma_wait3A_364 = tpu.memref_squeeze %dma_wait3A_363 : memref<1x80x64xf32, #tpu.memory_space<vmem>> -> memref<80x64xf32, #tpu.memory_space<vmem>>
    %dma_wait3A_365 = arith.constant 0 : i32
    %dma_wait3A_366 = tpu.memref_slice %arg5[%dma_wait3A_359, %dma_wait3A_365] : memref<20x80xi32, #tpu.memory_space<vmem>> -> memref<1x80xi32, #tpu.memory_space<vmem>>
    %dma_wait3A_367 = tpu.memref_squeeze %dma_wait3A_366 : memref<1x80xi32, #tpu.memory_space<vmem>> -> memref<80xi32, #tpu.memory_space<vmem>>
    %dma_wait3A_368 = arith.constant 0 : i32
    %dma_wait3A_369 = arith.constant 0 : i32
    %dma_wait3A_370 = tpu.memref_slice %arg3[%dma_wait3A_368, %dma_wait3A_369] : memref<100000x64xf32, #tpu.memory_space<hbm>> -> memref<100000x64xf32, #tpu.memory_space<hbm>>
    tpu.wait_indirect_dma semaphore(%arg7 : memref<!tpu.dma_semaphore, #tpu.memory_space<semaphore_mem>>) src(%dma_wait3A_370 : memref<100000x64xf32, #tpu.memory_space<hbm>>) dst(%dma_wait3A_364 : memref<80x64xf32, #tpu.memory_space<vmem>>)
    %dma_wait3A_371 = arith.constant 11 : i32
    %dma_wait3A_372 = arith.constant 11 : i32
    %dma_wait3A_373 = arith.constant 0 : i32
    %dma_wait3A_374 = arith.constant 0 : i32
    %dma_wait3A_375 = tpu.memref_slice %arg6[%dma_wait3A_372, %dma_wait3A_373, %dma_wait3A_374] : memref<20x80x64xf32, #tpu.memory_space<vmem>> -> memref<1x80x64xf32, #tpu.memory_space<vmem>>
    %dma_wait3A_376 = tpu.memref_squeeze %dma_wait3A_375 : memref<1x80x64xf32, #tpu.memory_space<vmem>> -> memref<80x64xf32, #tpu.memory_space<vmem>>
    %dma_wait3A_377 = arith.constant 0 : i32
    %dma_wait3A_378 = tpu.memref_slice %arg5[%dma_wait3A_371, %dma_wait3A_377] : memref<20x80xi32, #tpu.memory_space<vmem>> -> memref<1x80xi32, #tpu.memory_space<vmem>>
    %dma_wait3A_379 = tpu.memref_squeeze %dma_wait3A_378 : memref<1x80xi32, #tpu.memory_space<vmem>> -> memref<80xi32, #tpu.memory_space<vmem>>
    %dma_wait3A_380 = arith.constant 0 : i32
    %dma_wait3A_381 = arith.constant 0 : i32
    %dma_wait3A_382 = tpu.memref_slice %arg3[%dma_wait3A_380, %dma_wait3A_381] : memref<100000x64xf32, #tpu.memory_space<hbm>> -> memref<100000x64xf32, #tpu.memory_space<hbm>>
    tpu.wait_indirect_dma semaphore(%arg7 : memref<!tpu.dma_semaphore, #tpu.memory_space<semaphore_mem>>) src(%dma_wait3A_382 : memref<100000x64xf32, #tpu.memory_space<hbm>>) dst(%dma_wait3A_376 : memref<80x64xf32, #tpu.memory_space<vmem>>)
    %dma_wait3A_383 = arith.constant 12 : i32
    %dma_wait3A_384 = arith.constant 12 : i32
    %dma_wait3A_385 = arith.constant 0 : i32
    %dma_wait3A_386 = arith.constant 0 : i32
    %dma_wait3A_387 = tpu.memref_slice %arg6[%dma_wait3A_384, %dma_wait3A_385, %dma_wait3A_386] : memref<20x80x64xf32, #tpu.memory_space<vmem>> -> memref<1x80x64xf32, #tpu.memory_space<vmem>>
    %dma_wait3A_388 = tpu.memref_squeeze %dma_wait3A_387 : memref<1x80x64xf32, #tpu.memory_space<vmem>> -> memref<80x64xf32, #tpu.memory_space<vmem>>
    %dma_wait3A_389 = arith.constant 0 : i32
    %dma_wait3A_390 = tpu.memref_slice %arg5[%dma_wait3A_383, %dma_wait3A_389] : memref<20x80xi32, #tpu.memory_space<vmem>> -> memref<1x80xi32, #tpu.memory_space<vmem>>
    %dma_wait3A_391 = tpu.memref_squeeze %dma_wait3A_390 : memref<1x80xi32, #tpu.memory_space<vmem>> -> memref<80xi32, #tpu.memory_space<vmem>>
    %dma_wait3A_392 = arith.constant 0 : i32
    %dma_wait3A_393 = arith.constant 0 : i32
    %dma_wait3A_394 = tpu.memref_slice %arg3[%dma_wait3A_392, %dma_wait3A_393] : memref<100000x64xf32, #tpu.memory_space<hbm>> -> memref<100000x64xf32, #tpu.memory_space<hbm>>
    tpu.wait_indirect_dma semaphore(%arg7 : memref<!tpu.dma_semaphore, #tpu.memory_space<semaphore_mem>>) src(%dma_wait3A_394 : memref<100000x64xf32, #tpu.memory_space<hbm>>) dst(%dma_wait3A_388 : memref<80x64xf32, #tpu.memory_space<vmem>>)
    %dma_wait3A_395 = arith.constant 13 : i32
    %dma_wait3A_396 = arith.constant 13 : i32
    %dma_wait3A_397 = arith.constant 0 : i32
    %dma_wait3A_398 = arith.constant 0 : i32
    %dma_wait3A_399 = tpu.memref_slice %arg6[%dma_wait3A_396, %dma_wait3A_397, %dma_wait3A_398] : memref<20x80x64xf32, #tpu.memory_space<vmem>> -> memref<1x80x64xf32, #tpu.memory_space<vmem>>
    %dma_wait3A_400 = tpu.memref_squeeze %dma_wait3A_399 : memref<1x80x64xf32, #tpu.memory_space<vmem>> -> memref<80x64xf32, #tpu.memory_space<vmem>>
    %dma_wait3A_401 = arith.constant 0 : i32
    %dma_wait3A_402 = tpu.memref_slice %arg5[%dma_wait3A_395, %dma_wait3A_401] : memref<20x80xi32, #tpu.memory_space<vmem>> -> memref<1x80xi32, #tpu.memory_space<vmem>>
    %dma_wait3A_403 = tpu.memref_squeeze %dma_wait3A_402 : memref<1x80xi32, #tpu.memory_space<vmem>> -> memref<80xi32, #tpu.memory_space<vmem>>
    %dma_wait3A_404 = arith.constant 0 : i32
    %dma_wait3A_405 = arith.constant 0 : i32
    %dma_wait3A_406 = tpu.memref_slice %arg3[%dma_wait3A_404, %dma_wait3A_405] : memref<100000x64xf32, #tpu.memory_space<hbm>> -> memref<100000x64xf32, #tpu.memory_space<hbm>>
    tpu.wait_indirect_dma semaphore(%arg7 : memref<!tpu.dma_semaphore, #tpu.memory_space<semaphore_mem>>) src(%dma_wait3A_406 : memref<100000x64xf32, #tpu.memory_space<hbm>>) dst(%dma_wait3A_400 : memref<80x64xf32, #tpu.memory_space<vmem>>)
    %dma_wait3A_407 = arith.constant 14 : i32
    %dma_wait3A_408 = arith.constant 14 : i32
    %dma_wait3A_409 = arith.constant 0 : i32
    %dma_wait3A_410 = arith.constant 0 : i32
    %dma_wait3A_411 = tpu.memref_slice %arg6[%dma_wait3A_408, %dma_wait3A_409, %dma_wait3A_410] : memref<20x80x64xf32, #tpu.memory_space<vmem>> -> memref<1x80x64xf32, #tpu.memory_space<vmem>>
    %dma_wait3A_412 = tpu.memref_squeeze %dma_wait3A_411 : memref<1x80x64xf32, #tpu.memory_space<vmem>> -> memref<80x64xf32, #tpu.memory_space<vmem>>
    %dma_wait3A_413 = arith.constant 0 : i32
    %dma_wait3A_414 = tpu.memref_slice %arg5[%dma_wait3A_407, %dma_wait3A_413] : memref<20x80xi32, #tpu.memory_space<vmem>> -> memref<1x80xi32, #tpu.memory_space<vmem>>
    %dma_wait3A_415 = tpu.memref_squeeze %dma_wait3A_414 : memref<1x80xi32, #tpu.memory_space<vmem>> -> memref<80xi32, #tpu.memory_space<vmem>>
    %dma_wait3A_416 = arith.constant 0 : i32
    %dma_wait3A_417 = arith.constant 0 : i32
    %dma_wait3A_418 = tpu.memref_slice %arg3[%dma_wait3A_416, %dma_wait3A_417] : memref<100000x64xf32, #tpu.memory_space<hbm>> -> memref<100000x64xf32, #tpu.memory_space<hbm>>
    tpu.wait_indirect_dma semaphore(%arg7 : memref<!tpu.dma_semaphore, #tpu.memory_space<semaphore_mem>>) src(%dma_wait3A_418 : memref<100000x64xf32, #tpu.memory_space<hbm>>) dst(%dma_wait3A_412 : memref<80x64xf32, #tpu.memory_space<vmem>>)
    %dma_wait3A_419 = arith.constant 15 : i32
    %dma_wait3A_420 = arith.constant 15 : i32
    %dma_wait3A_421 = arith.constant 0 : i32
    %dma_wait3A_422 = arith.constant 0 : i32
    %dma_wait3A_423 = tpu.memref_slice %arg6[%dma_wait3A_420, %dma_wait3A_421, %dma_wait3A_422] : memref<20x80x64xf32, #tpu.memory_space<vmem>> -> memref<1x80x64xf32, #tpu.memory_space<vmem>>
    %dma_wait3A_424 = tpu.memref_squeeze %dma_wait3A_423 : memref<1x80x64xf32, #tpu.memory_space<vmem>> -> memref<80x64xf32, #tpu.memory_space<vmem>>
    %dma_wait3A_425 = arith.constant 0 : i32
    %dma_wait3A_426 = tpu.memref_slice %arg5[%dma_wait3A_419, %dma_wait3A_425] : memref<20x80xi32, #tpu.memory_space<vmem>> -> memref<1x80xi32, #tpu.memory_space<vmem>>
    %dma_wait3A_427 = tpu.memref_squeeze %dma_wait3A_426 : memref<1x80xi32, #tpu.memory_space<vmem>> -> memref<80xi32, #tpu.memory_space<vmem>>
    %dma_wait3A_428 = arith.constant 0 : i32
    %dma_wait3A_429 = arith.constant 0 : i32
    %dma_wait3A_430 = tpu.memref_slice %arg3[%dma_wait3A_428, %dma_wait3A_429] : memref<100000x64xf32, #tpu.memory_space<hbm>> -> memref<100000x64xf32, #tpu.memory_space<hbm>>
    tpu.wait_indirect_dma semaphore(%arg7 : memref<!tpu.dma_semaphore, #tpu.memory_space<semaphore_mem>>) src(%dma_wait3A_430 : memref<100000x64xf32, #tpu.memory_space<hbm>>) dst(%dma_wait3A_424 : memref<80x64xf32, #tpu.memory_space<vmem>>)
    %dma_wait3A_431 = arith.constant 16 : i32
    %dma_wait3A_432 = arith.constant 16 : i32
    %dma_wait3A_433 = arith.constant 0 : i32
    %dma_wait3A_434 = arith.constant 0 : i32
    %dma_wait3A_435 = tpu.memref_slice %arg6[%dma_wait3A_432, %dma_wait3A_433, %dma_wait3A_434] : memref<20x80x64xf32, #tpu.memory_space<vmem>> -> memref<1x80x64xf32, #tpu.memory_space<vmem>>
    %dma_wait3A_436 = tpu.memref_squeeze %dma_wait3A_435 : memref<1x80x64xf32, #tpu.memory_space<vmem>> -> memref<80x64xf32, #tpu.memory_space<vmem>>
    %dma_wait3A_437 = arith.constant 0 : i32
    %dma_wait3A_438 = tpu.memref_slice %arg5[%dma_wait3A_431, %dma_wait3A_437] : memref<20x80xi32, #tpu.memory_space<vmem>> -> memref<1x80xi32, #tpu.memory_space<vmem>>
    %dma_wait3A_439 = tpu.memref_squeeze %dma_wait3A_438 : memref<1x80xi32, #tpu.memory_space<vmem>> -> memref<80xi32, #tpu.memory_space<vmem>>
    %dma_wait3A_440 = arith.constant 0 : i32
    %dma_wait3A_441 = arith.constant 0 : i32
    %dma_wait3A_442 = tpu.memref_slice %arg3[%dma_wait3A_440, %dma_wait3A_441] : memref<100000x64xf32, #tpu.memory_space<hbm>> -> memref<100000x64xf32, #tpu.memory_space<hbm>>
    tpu.wait_indirect_dma semaphore(%arg7 : memref<!tpu.dma_semaphore, #tpu.memory_space<semaphore_mem>>) src(%dma_wait3A_442 : memref<100000x64xf32, #tpu.memory_space<hbm>>) dst(%dma_wait3A_436 : memref<80x64xf32, #tpu.memory_space<vmem>>)
    %dma_wait3A_443 = arith.constant 17 : i32
    %dma_wait3A_444 = arith.constant 17 : i32
    %dma_wait3A_445 = arith.constant 0 : i32
    %dma_wait3A_446 = arith.constant 0 : i32
    %dma_wait3A_447 = tpu.memref_slice %arg6[%dma_wait3A_444, %dma_wait3A_445, %dma_wait3A_446] : memref<20x80x64xf32, #tpu.memory_space<vmem>> -> memref<1x80x64xf32, #tpu.memory_space<vmem>>
    %dma_wait3A_448 = tpu.memref_squeeze %dma_wait3A_447 : memref<1x80x64xf32, #tpu.memory_space<vmem>> -> memref<80x64xf32, #tpu.memory_space<vmem>>
    %dma_wait3A_449 = arith.constant 0 : i32
    %dma_wait3A_450 = tpu.memref_slice %arg5[%dma_wait3A_443, %dma_wait3A_449] : memref<20x80xi32, #tpu.memory_space<vmem>> -> memref<1x80xi32, #tpu.memory_space<vmem>>
    %dma_wait3A_451 = tpu.memref_squeeze %dma_wait3A_450 : memref<1x80xi32, #tpu.memory_space<vmem>> -> memref<80xi32, #tpu.memory_space<vmem>>
    %dma_wait3A_452 = arith.constant 0 : i32
    %dma_wait3A_453 = arith.constant 0 : i32
    %dma_wait3A_454 = tpu.memref_slice %arg3[%dma_wait3A_452, %dma_wait3A_453] : memref<100000x64xf32, #tpu.memory_space<hbm>> -> memref<100000x64xf32, #tpu.memory_space<hbm>>
    tpu.wait_indirect_dma semaphore(%arg7 : memref<!tpu.dma_semaphore, #tpu.memory_space<semaphore_mem>>) src(%dma_wait3A_454 : memref<100000x64xf32, #tpu.memory_space<hbm>>) dst(%dma_wait3A_448 : memref<80x64xf32, #tpu.memory_space<vmem>>)
    %dma_wait3A_455 = arith.constant 18 : i32
    %dma_wait3A_456 = arith.constant 18 : i32
    %dma_wait3A_457 = arith.constant 0 : i32
    %dma_wait3A_458 = arith.constant 0 : i32
    %dma_wait3A_459 = tpu.memref_slice %arg6[%dma_wait3A_456, %dma_wait3A_457, %dma_wait3A_458] : memref<20x80x64xf32, #tpu.memory_space<vmem>> -> memref<1x80x64xf32, #tpu.memory_space<vmem>>
    %dma_wait3A_460 = tpu.memref_squeeze %dma_wait3A_459 : memref<1x80x64xf32, #tpu.memory_space<vmem>> -> memref<80x64xf32, #tpu.memory_space<vmem>>
    %dma_wait3A_461 = arith.constant 0 : i32
    %dma_wait3A_462 = tpu.memref_slice %arg5[%dma_wait3A_455, %dma_wait3A_461] : memref<20x80xi32, #tpu.memory_space<vmem>> -> memref<1x80xi32, #tpu.memory_space<vmem>>
    %dma_wait3A_463 = tpu.memref_squeeze %dma_wait3A_462 : memref<1x80xi32, #tpu.memory_space<vmem>> -> memref<80xi32, #tpu.memory_space<vmem>>
    %dma_wait3A_464 = arith.constant 0 : i32
    %dma_wait3A_465 = arith.constant 0 : i32
    %dma_wait3A_466 = tpu.memref_slice %arg3[%dma_wait3A_464, %dma_wait3A_465] : memref<100000x64xf32, #tpu.memory_space<hbm>> -> memref<100000x64xf32, #tpu.memory_space<hbm>>
    tpu.wait_indirect_dma semaphore(%arg7 : memref<!tpu.dma_semaphore, #tpu.memory_space<semaphore_mem>>) src(%dma_wait3A_466 : memref<100000x64xf32, #tpu.memory_space<hbm>>) dst(%dma_wait3A_460 : memref<80x64xf32, #tpu.memory_space<vmem>>)
    %dma_wait3A_467 = arith.constant 19 : i32
    %dma_wait3A_468 = arith.constant 19 : i32
    %dma_wait3A_469 = arith.constant 0 : i32
    %dma_wait3A_470 = arith.constant 0 : i32
    %dma_wait3A_471 = tpu.memref_slice %arg6[%dma_wait3A_468, %dma_wait3A_469, %dma_wait3A_470] : memref<20x80x64xf32, #tpu.memory_space<vmem>> -> memref<1x80x64xf32, #tpu.memory_space<vmem>>
    %dma_wait3A_472 = tpu.memref_squeeze %dma_wait3A_471 : memref<1x80x64xf32, #tpu.memory_space<vmem>> -> memref<80x64xf32, #tpu.memory_space<vmem>>
    %dma_wait3A_473 = arith.constant 0 : i32
    %dma_wait3A_474 = tpu.memref_slice %arg5[%dma_wait3A_467, %dma_wait3A_473] : memref<20x80xi32, #tpu.memory_space<vmem>> -> memref<1x80xi32, #tpu.memory_space<vmem>>
    %dma_wait3A_475 = tpu.memref_squeeze %dma_wait3A_474 : memref<1x80xi32, #tpu.memory_space<vmem>> -> memref<80xi32, #tpu.memory_space<vmem>>
    %dma_wait3A_476 = arith.constant 0 : i32
    %dma_wait3A_477 = arith.constant 0 : i32
    %dma_wait3A_478 = tpu.memref_slice %arg3[%dma_wait3A_476, %dma_wait3A_477] : memref<100000x64xf32, #tpu.memory_space<hbm>> -> memref<100000x64xf32, #tpu.memory_space<hbm>>
    tpu.wait_indirect_dma semaphore(%arg7 : memref<!tpu.dma_semaphore, #tpu.memory_space<semaphore_mem>>) src(%dma_wait3A_478 : memref<100000x64xf32, #tpu.memory_space<hbm>>) dst(%dma_wait3A_472 : memref<80x64xf32, #tpu.memory_space<vmem>>)
    "tpu.region"() ({
      %run_scoped3A = tpu.sem_alloc : memref<!tpu.dma_semaphore, #tpu.memory_space<semaphore_mem>>
      %dma_start3A_479 = arith.constant 0 : i32
      %dma_start3A_480 = arith.constant 0 : i32
      %dma_start3A_481 = arith.constant 0 : i32
      %dma_start3A_482 = tpu.memref_slice %arg4[%add3A, %dma_start3A_479, %dma_start3A_480, %dma_start3A_481] : memref<32x20x80x64xf32, #tpu.memory_space<hbm>> -> memref<1x20x80x64xf32, #tpu.memory_space<hbm>>
      %dma_start3A_483 = tpu.memref_squeeze %dma_start3A_482 : memref<1x20x80x64xf32, #tpu.memory_space<hbm>> -> memref<20x80x64xf32, #tpu.memory_space<hbm>>
      %dma_start3A_484 = arith.constant 0 : i32
      %dma_start3A_485 = arith.constant 0 : i32
      %dma_start3A_486 = arith.constant 0 : i32
      %dma_start3A_487 = tpu.memref_slice %arg4[%add3A, %dma_start3A_484, %dma_start3A_485, %dma_start3A_486] : memref<32x20x80x64xf32, #tpu.memory_space<hbm>> -> memref<1x20x80x64xf32, #tpu.memory_space<hbm>>
      %dma_start3A_488 = tpu.memref_squeeze %dma_start3A_487 : memref<1x20x80x64xf32, #tpu.memory_space<hbm>> -> memref<20x80x64xf32, #tpu.memory_space<hbm>>
      tpu.enqueue_dma source(%arg6 : memref<20x80x64xf32, #tpu.memory_space<vmem>>) target(%dma_start3A_488 : memref<20x80x64xf32, #tpu.memory_space<hbm>>) target_semaphore(%run_scoped3A : memref<!tpu.dma_semaphore, #tpu.memory_space<semaphore_mem>>)
      %dma_wait3A_489 = arith.constant 0 : i32
      %dma_wait3A_490 = arith.constant 0 : i32
      %dma_wait3A_491 = arith.constant 0 : i32
      %dma_wait3A_492 = tpu.memref_slice %arg4[%add3A, %dma_wait3A_489, %dma_wait3A_490, %dma_wait3A_491] : memref<32x20x80x64xf32, #tpu.memory_space<hbm>> -> memref<1x20x80x64xf32, #tpu.memory_space<hbm>>
      %dma_wait3A_493 = tpu.memref_squeeze %dma_wait3A_492 : memref<1x20x80x64xf32, #tpu.memory_space<hbm>> -> memref<20x80x64xf32, #tpu.memory_space<hbm>>
      %dma_wait3A_494 = arith.constant 0 : i32
      %dma_wait3A_495 = arith.constant 0 : i32
      %dma_wait3A_496 = arith.constant 0 : i32
      %dma_wait3A_497 = tpu.memref_slice %arg4[%add3A, %dma_wait3A_494, %dma_wait3A_495, %dma_wait3A_496] : memref<32x20x80x64xf32, #tpu.memory_space<hbm>> -> memref<1x20x80x64xf32, #tpu.memory_space<hbm>>
      %dma_wait3A_498 = tpu.memref_squeeze %dma_wait3A_497 : memref<1x20x80x64xf32, #tpu.memory_space<hbm>> -> memref<20x80x64xf32, #tpu.memory_space<hbm>>
      tpu.wait_dma2 semaphore(%run_scoped3A : memref<!tpu.dma_semaphore, #tpu.memory_space<semaphore_mem>>) src(%arg6 : memref<20x80x64xf32, #tpu.memory_space<vmem>>) dst(%dma_wait3A_498 : memref<20x80x64xf32, #tpu.memory_space<hbm>>)
      tpu.yield
    }) : () -> ()
    return
  }
}

module attributes {stable_mosaic.version = 14 : i64} {
  func.func @_pool_body(%arg0: i32, %arg1: memref<3200x128xf32, #tpu.memory_space<vmem>>, %arg2: memref<64x128xf32, #tpu.memory_space<vmem>>) attributes {dimension_semantics = [#tpu.dimension_semantics<arbitrary>], iteration_bounds = array<i64: 8>, scalar_prefetch = 0 : i64, scratch_operands = 0 : i64, tpu.core_type = #tpu.core_type<tc>, window_params = [{transform_indices = @transform_0, window_bounds = array<i64: 3200, 128>}, {transform_indices = @transform_1, window_bounds = array<i64: 64, 128>}]} {
    %get3A = arith.constant 0 : index
    %get3A_0 = arith.constant 0 : index
    %get3A_1 = vector.load %arg1[%get3A, %get3A_0] : memref<3200x128xf32, #tpu.memory_space<vmem>>, vector<3200x128xf32>
    %slice3A = vector.extract_strided_slice %get3A_1 {offsets = [0, 0], sizes = [3200, 64], strides = [1, 1]} : vector<3200x128xf32> to vector<3200x64xf32>
    %slice3A_2 = vector.extract_strided_slice %get3A_1 {offsets = [0, 64], sizes = [3200, 64], strides = [1, 1]} : vector<3200x128xf32> to vector<3200x64xf32>
    %mul3A = arith.mulf %slice3A, %slice3A : vector<3200x64xf32>
    %reduce_sum3A = arith.constant dense<0.000000e+00> : vector<3200xf32>
    %reduce_sum3A_3 = vector.multi_reduction <add>, %mul3A, %reduce_sum3A [1] : vector<3200x64xf32> to vector<3200xf32>
    %broadcast_in_dim3A = vector.shape_cast %reduce_sum3A_3 : vector<3200xf32> to vector<3200x1xf32>
    %mul3A_4 = arith.mulf %slice3A_2, %slice3A_2 : vector<3200x64xf32>
    %reduce_sum3A_5 = arith.constant dense<0.000000e+00> : vector<3200xf32>
    %reduce_sum3A_6 = vector.multi_reduction <add>, %mul3A_4, %reduce_sum3A_5 [1] : vector<3200x64xf32> to vector<3200xf32>
    %broadcast_in_dim3A_7 = vector.shape_cast %reduce_sum3A_6 : vector<3200xf32> to vector<3200x1xf32>
    %sqrt3A = math.sqrt %broadcast_in_dim3A : vector<3200x1xf32>
    %add3A = arith.constant 1.000000e-07 : f32
    %add3A_8 = vector.broadcast %add3A : f32 to vector<3200x1xf32>
    %add3A_9 = arith.addf %sqrt3A, %add3A_8 : vector<3200x1xf32>
    %div3A = arith.constant 1.000000e+00 : f32
    %div3A_10 = vector.broadcast %div3A : f32 to vector<3200x1xf32>
    %div3A_11 = arith.divf %div3A_10, %add3A_9 : vector<3200x1xf32>
    %min3A = arith.constant 1.000000e+00 : f32
    %min3A_12 = vector.broadcast %min3A : f32 to vector<3200x1xf32>
    %min3A_13 = arith.minimumf %min3A_12, %div3A_11 : vector<3200x1xf32>
    %mul3A_14 = vector.broadcast %min3A_13 : vector<3200x1xf32> to vector<3200x64xf32>
    %mul3A_15 = arith.mulf %slice3A, %mul3A_14 : vector<3200x64xf32>
    %sqrt3A_16 = math.sqrt %broadcast_in_dim3A_7 : vector<3200x1xf32>
    %add3A_17 = arith.constant 1.000000e-07 : f32
    %add3A_18 = vector.broadcast %add3A_17 : f32 to vector<3200x1xf32>
    %add3A_19 = arith.addf %sqrt3A_16, %add3A_18 : vector<3200x1xf32>
    %div3A_20 = arith.constant 1.000000e+00 : f32
    %div3A_21 = vector.broadcast %div3A_20 : f32 to vector<3200x1xf32>
    %div3A_22 = arith.divf %div3A_21, %add3A_19 : vector<3200x1xf32>
    %min3A_23 = arith.constant 1.000000e+00 : f32
    %min3A_24 = vector.broadcast %min3A_23 : f32 to vector<3200x1xf32>
    %min3A_25 = arith.minimumf %min3A_24, %div3A_22 : vector<3200x1xf32>
    %mul3A_26 = vector.broadcast %min3A_25 : vector<3200x1xf32> to vector<3200x64xf32>
    %mul3A_27 = arith.mulf %slice3A_2, %mul3A_26 : vector<3200x64xf32>
    %add3A_28 = arith.addf %mul3A_15, %mul3A_27 : vector<3200x64xf32>
    %iota3A = tpu.iota {dimensions = array<i32: 1>} : vector<128x3200xi32>
    %jit3A = arith.constant 25 : i32
    %div3A_29 = vector.broadcast %jit3A : i32 to vector<128x3200xi32>
    %div3A_30 = arith.divsi %iota3A, %div3A_29 : vector<128x3200xi32>
    %sign3A = arith.constant 0 : i32
    %sign3A_31 = vector.broadcast %sign3A : i32 to vector<128x3200xi32>
    %sign3A_32 = arith.cmpi sgt, %iota3A, %sign3A_31 : vector<128x3200xi32>
    %sign3A_33 = arith.extui %sign3A_32 : vector<128x3200xi1> to vector<128x3200xi32>
    %sign3A_34 = arith.constant 0 : i32
    %sign3A_35 = vector.broadcast %sign3A_34 : i32 to vector<128x3200xi32>
    %sign3A_36 = arith.cmpi slt, %iota3A, %sign3A_35 : vector<128x3200xi32>
    %sign3A_37 = arith.extui %sign3A_36 : vector<128x3200xi1> to vector<128x3200xi32>
    %sign3A_38 = arith.subi %sign3A_33, %sign3A_37 : vector<128x3200xi32>
    %sign3A_39 = arith.constant 0 : i32
    %sign3A_40 = arith.cmpi sgt, %jit3A, %sign3A_39 : i32
    %sign3A_41 = arith.extui %sign3A_40 : i1 to i32
    %sign3A_42 = arith.constant 0 : i32
    %sign3A_43 = arith.cmpi slt, %jit3A, %sign3A_42 : i32
    %sign3A_44 = arith.extui %sign3A_43 : i1 to i32
    %sign3A_45 = arith.subi %sign3A_41, %sign3A_44 : i32
    %ne3A = vector.broadcast %sign3A_45 : i32 to vector<128x3200xi32>
    %ne3A_46 = arith.cmpi ne, %sign3A_38, %ne3A : vector<128x3200xi32>
    %rem3A = vector.broadcast %jit3A : i32 to vector<128x3200xi32>
    %rem3A_47 = arith.remsi %iota3A, %rem3A : vector<128x3200xi32>
    %ne3A_48 = arith.constant 0 : i32
    %ne3A_49 = vector.broadcast %ne3A_48 : i32 to vector<128x3200xi32>
    %ne3A_50 = arith.cmpi ne, %rem3A_47, %ne3A_49 : vector<128x3200xi32>
    %and3A = arith.andi %ne3A_46, %ne3A_50 : vector<128x3200xi1>
    %sub3A = arith.constant 1 : i32
    %sub3A_51 = vector.broadcast %sub3A : i32 to vector<128x3200xi32>
    %sub3A_52 = arith.subi %div3A_30, %sub3A_51 : vector<128x3200xi32>
    %select_n3A = arith.select %and3A, %sub3A_52, %div3A_30 : vector<128x3200xi1>, vector<128x3200xi32>
    %iota3A_53 = tpu.iota {dimensions = array<i32: 0>} : vector<128x3200xi32>
    %eq3A = arith.cmpi eq, %select_n3A, %iota3A_53 : vector<128x3200xi32>
    %jit3A_54 = arith.constant 2.000000e-02 : f32
    %jit3A_55 = arith.constant 0.000000e+00 : f32
    %broadcast_in_dim3A_56 = vector.broadcast %jit3A_54 : f32 to vector<128x3200xf32>
    %broadcast_in_dim3A_57 = vector.broadcast %jit3A_55 : f32 to vector<128x3200xf32>
    %select_n3A_58 = arith.select %eq3A, %broadcast_in_dim3A_56, %broadcast_in_dim3A_57 : vector<128x3200xi1>, vector<128x3200xf32>
    %dot_general3A = arith.constant dense<0.000000e+00> : vector<64x128xf32>
    %dot_general3A_59 = tpu.matmul %add3A_28, %select_n3A_58, %dot_general3A {dimension_numbers = #tpu.dot_dimension_numbers<[0], [1], [1], [0], [0, 1, 1, 0], [], []>, transpose_lhs_hint = false} : vector<3200x64xf32>, vector<128x3200xf32>, vector<64x128xf32> -> vector<64x128xf32>
    %swap3A = arith.constant 0 : index
    %swap3A_60 = arith.constant 0 : index
    %swap3A_61 = vector.load %arg2[%swap3A, %swap3A_60] : memref<64x128xf32, #tpu.memory_space<vmem>>, vector<64x128xf32>
    tpu.vector_store %arg2[%swap3A, %swap3A_60], %dot_general3A_59 {strides = array<i32>} : memref<64x128xf32, #tpu.memory_space<vmem>>, vector<64x128xf32>,
    return
  }
  func.func @transform_0(%arg0: i32) -> (i32, i32) {
    %c0_i32 = arith.constant 0 : i32
    %c0_i32_0 = arith.constant 0 : i32
    return %arg0, %c0_i32 : i32, i32
  }
  func.func @transform_1(%arg0: i32) -> (i32, i32) {
    %c0_i32 = arith.constant 0 : i32
    %c0_i32_0 = arith.constant 0 : i32
    return %c0_i32, %arg0 : i32, i32
  }
}

module attributes {stable_mosaic.version = 14 : i64} {
  func.func @_mm_body(%arg0: i32, %arg1: memref<64x2048xf32, #tpu.memory_space<vmem>>, %arg2: memref<64x1024xf32, #tpu.memory_space<vmem>>, %arg3: memref<1x2048xf32, #tpu.memory_space<vmem>>, %arg4: memref<2048x1024xf32, #tpu.memory_space<vmem>>) attributes {dimension_semantics = [#tpu.dimension_semantics<arbitrary>], iteration_bounds = array<i64: 49>, scalar_prefetch = 0 : i64, scratch_operands = 0 : i64, tpu.core_type = #tpu.core_type<tc>, window_params = [{transform_indices = @transform_0, window_bounds = array<i64: 64, 2048>}, {pipeline_mode = #tpu.pipeline_mode<synchronous>, transform_indices = @transform_1, window_bounds = array<i64: 64, 1024>}, {transform_indices = @transform_2, window_bounds = array<i64: 1, 2048>}, {transform_indices = @transform_3, window_bounds = array<i64: 2048, 1024>}]} {
    %get3A = arith.constant 0 : index
    %get3A_0 = arith.constant 0 : index
    %get3A_1 = vector.load %arg1[%get3A, %get3A_0] : memref<64x2048xf32, #tpu.memory_space<vmem>>, vector<64x2048xf32>
    %convert_element_type3A = arith.truncf %get3A_1 : vector<64x2048xf32> to vector<64x2048xbf16>
    %get3A_2 = arith.constant 0 : index
    %get3A_3 = arith.constant 0 : index
    %get3A_4 = vector.load %arg2[%get3A_2, %get3A_3] : memref<64x1024xf32, #tpu.memory_space<vmem>>, vector<64x1024xf32>
    %convert_element_type3A_5 = arith.truncf %get3A_4 : vector<64x1024xf32> to vector<64x1024xbf16>
    %dot_general3A = arith.constant dense<0.000000e+00> : vector<2048x1024xf32>
    %dot_general3A_6 = tpu.matmul %convert_element_type3A, %convert_element_type3A_5, %dot_general3A {dimension_numbers = #tpu.dot_dimension_numbers<[0], [0], [1], [1], [0, 1, 1, 1], [], []>, transpose_lhs_hint = false} : vector<64x2048xbf16>, vector<64x1024xbf16>, vector<2048x1024xf32> -> vector<2048x1024xf32>
    %get3A_7 = arith.constant 0 : index
    %get3A_8 = arith.constant 0 : index
    %get3A_9 = vector.load %arg3[%get3A_7, %get3A_8] : memref<1x2048xf32, #tpu.memory_space<vmem>>, vector<1x2048xf32>
    %transpose3A = tpu.transpose %get3A_9, [1, 0] : vector<1x2048xf32> -> vector<2048x1xf32>
    %add3A = vector.broadcast %transpose3A : vector<2048x1xf32> to vector<2048x1024xf32>
    %add3A_10 = arith.addf %dot_general3A_6, %add3A : vector<2048x1024xf32>
    %swap3A = arith.constant 0 : index
    %swap3A_11 = arith.constant 0 : index
    %swap3A_12 = vector.load %arg4[%swap3A, %swap3A_11] : memref<2048x1024xf32, #tpu.memory_space<vmem>>, vector<2048x1024xf32>
    tpu.vector_store %arg4[%swap3A, %swap3A_11], %add3A_10 {strides = array<i32>} : memref<2048x1024xf32, #tpu.memory_space<vmem>>, vector<2048x1024xf32>,
    return
  }
  func.func @transform_0(%arg0: i32) -> (i32, i32) {
    %c0_i32 = arith.constant 0 : i32
    %c0_i32_0 = arith.constant 0 : i32
    return %c0_i32, %arg0 : i32, i32
  }
  func.func @transform_1(%arg0: i32) -> (i32, i32) {
    %c0_i32 = arith.constant 0 : i32
    %c0_i32_0 = arith.constant 0 : i32
    %c0_i32_1 = arith.constant 0 : i32
    return %c0_i32, %c0_i32_0 : i32, i32
  }
  func.func @transform_2(%arg0: i32) -> (i32, i32) {
    %c0_i32 = arith.constant 0 : i32
    %c0_i32_0 = arith.constant 0 : i32
    return %c0_i32, %arg0 : i32, i32
  }
  func.func @transform_3(%arg0: i32) -> (i32, i32) {
    %c0_i32 = arith.constant 0 : i32
    %c0_i32_0 = arith.constant 0 : i32
    return %arg0, %c0_i32 : i32, i32
  }
}

</mosaic_0001>

<sc_bundles>
// kernel: kernel.5.cloned.1.call-start
scs
__scs_entry_jumppad:
0x0: {  	(pc) =	sbr.rel $0x88, $3  }
0x1: {  	(tag) =	ssettag $0x0;
	lr =	simm.s32 $0x1  }
0x2: {  	[smem:$0x3F9D] =	sst lr;
	_ =	strace $0xD0000000  }
0x3: {  	_ = 	snop  }
0x4: {  	_ = 	snop  }
0x5: {  	_ = 	snop  }
0x6: {  	_ = 	snop  }
0x7: {  	_ = 	snop  }
__scs_overlays_trampoline_lowered:
0x8: {  	[smem:$0x3FAC] =	sst s0  }
0x9: {  	[smem:$0x3FAD] =	sst s1  }
0xa: {  	[smem:$0x3FAE] =	sst s2  }
0xb: {  	[smem:$0x3FAF] =	sst s3  }
0xc: {  	[smem:$0x3FB0] =	sst s4  }
0xd: {  	[smem:$0x3FB1] =	sst s5  }
0xe: {  	[smem:$0x3FB2] =	sst s6  }
0xf: {  	[smem:$0x3FB3] =	sst s7  }
0x10: {  	[smem:$0x3FB4] =	sst s8  }
0x11: {  	[smem:$0x3FB5] =	sst s9;
	s0 =	simm.s32 @!p0 $0x0  }
0x12: {  	s1 =	sld [smem:$0x3F9B];
	s0 =	simm.s32 @p0 $0x1  }
0x13: {  	[smem:$0x3FB6] =	sst s0;
	s0 =	simm.s32 @!p1 $0x0  }
0x14: {  	s2 =	sld [smem:$0x3F9A];
	s0 =	simm.s32 @p1 $0x1  }
0x15: {  	[smem:$0x3FB7] =	sst s0;
	s0 =	simm.s32 @!p2 $0x0  }
0x16: {  	s3 =	sld [smem:$0x3FDB];
	s0 =	simm.s32 @p2 $0x1  }
0x17: {  	s4 =	simm.s32 $0x1BF5;
	[smem:$0x3FB9] =	sst s0  }
0x18: {  	s0 =	sld [smem:$0x3F9C];
	_ =	swait.ge [sflag:s4], $0x0  }
0x19: {  	s7 =	sld [smem:$0x3F9D]  }
0x1a: {  	s8 =	sadd.s32 $0xFFFFE003, lr  }
0x1b: {  	s9 =	sadd.s32 $0xFFFFFEF7, lr;
	s5 =	simm.s32 $0xFFFFFFFF;
	p2 =	slt.u32 s8, $0xFFFFF086  }
0x1c: {  	p1 =	slt.u32 s9, $0xF7A;
	s5 =	simm.s32 @!p2 $0x0  }
0x1d: {  	s5 =	simm.s32 @p1 $0x1;
	p0 =	seq.s32 s7, s2  }
0x1e: {  	s7 =	smul.u32 @!p0 $0xF7A, s2;
	p2 =	seq.s32 @!p0 s5, $0x0  }
0x1f: {  	s9 =	smul.u32 $0xF7A, s1;
	s8 =	simm.s32 @!p0 $0x1BF5;
	p2 =	por !p2, p0  }
0x20: {  	[sflag:s8] =	ssyncset.s32 @!p0 $0xFFFFF086;
	s6 =	sadd.s32 @!p0 s3, s7;
	s7 =	simm.s32 @!p0 $0x108  }
0x21: {  	s3 =	sadd.s32 s3, s9;
	s6 =	sadd.s32 @!p0 $0x88, s6;
	s7 =	simm.s32 @p2 $0x1082  }
0x22: {  	[simem:s7], [sflag:s8] =	dma.local @!p0 [hbm:s6], $0xF7A  }
0x23: {  	s9 =	sor.u32 $0xD0000000, s2;
	s6 =	simm.s32 $0x108;
	_ =	swait.ge @!p0 [sflag:s8], $0x0  }
0x24: {  	s3 =	sadd.s32 $0x88, s3;
	s6 =	simm.s32 @!p1 $0x1082;
	[sflag:s4] =	ssyncset.s32 $0xFFFFF086  }
0x25: {  	[simem:s6], [sflag:s4] =	dma.local [hbm:s3], $0xF7A  }
0x26: {  	[smem:$0x3F9D] =	sst s1;
	(tag) =	ssettag s2;
	_ =	strace s9  }
0x27: {  	s1 =	sld [smem:$0x3FAD]  }
0x28: {  	s2 =	sld [smem:$0x3FAE]  }
0x29: {  	s4 =	sld [smem:$0x3FB0]  }
0x2a: {  	p0 =	seq.s32 s5, $0x0;
	s5 =	sld [smem:$0x3FB1]  }
0x2b: {  	s6 =	sld [smem:$0x3FB2]  }
0x2c: {  	s7 =	sld [smem:$0x3FB3]  }
0x2d: {  	s3 =	simm.s32 $0x108;
	s8 =	sld [smem:$0x3FB4]  }
0x2e: {  	s3 =	simm.s32 @!p0 $0x1082;
	s9 =	sld [smem:$0x3FB5]  }
0x2f: {  	lr =	sadd.s32 s0, s3;
	s0 =	sld [smem:$0x3FAC]  }
0x30: {  	s3 =	sld [smem:$0x3FAF]  }
0x31: {  	[smem:$0x3FB8] =	sst s10  }
0x32: {  	s10 =	sld [smem:$0x3FB6];
	_ =	sdelay $0x3  }
0x33: {  	p0 =	seq.s32 s10, $0x1;
	s10 =	sld [smem:$0x3FB8];
	_ =	sdelay $0x3  }
0x34: {  	[smem:$0x3FB8] =	sst s10  }
0x35: {  	s10 =	sld [smem:$0x3FB7];
	_ =	sdelay $0x3  }
0x36: {  	p1 =	seq.s32 s10, $0x1;
	s10 =	sld [smem:$0x3FB8];
	_ =	sdelay $0x3  }
0x37: {  	[smem:$0x3FB8] =	sst s10  }
0x38: {  	s10 =	sld [smem:$0x3FB9]  }
0x39: {  	_ = 	snop;
	(pc) =	sbr.ind lr, $3  }
0x3a: {  	_ = 	snop  }
0x3b: {  	_ = 	snop  }
0x3c: {  	p2 =	seq.s32 s10, $0x1;
	s10 =	sld [smem:$0x3FB8]  }
0x3d: {  	_ =	shalt  }
0x3e: {  	_ =	shalt  }
0x3f: {  	_ =	shalt  }
0x40: {  	_ =	shalt  }
0x41: {  	_ =	shalt  }
0x42: {  	_ =	shalt  }
0x43: {  	_ =	shalt  }
0x44: {  	_ =	shalt  }
0x45: {  	_ =	shalt  }
0x46: {  	_ =	shalt  }
0x47: {  	_ =	shalt  }
0x48: {  	_ =	shalt  }
0x49: {  	_ =	shalt  }
0x4a: {  	_ =	shalt  }
0x4b: {  	_ =	shalt  }
0x4c: {  	_ =	shalt  }
0x4d: {  	_ =	shalt  }
0x4e: {  	_ =	shalt  }
0x4f: {  	_ =	shalt  }
0x50: {  	_ =	shalt  }
0x51: {  	_ =	shalt  }
0x52: {  	_ =	shalt  }
0x53: {  	_ =	shalt  }
0x54: {  	_ =	shalt  }
0x55: {  	_ =	shalt  }
0x56: {  	_ =	shalt  }
0x57: {  	_ =	shalt  }
0x58: {  	_ =	shalt  }
0x59: {  	_ =	shalt  }
0x5a: {  	_ =	shalt  }
0x5b: {  	_ =	shalt  }
0x5c: {  	_ =	shalt  }
0x5d: {  	_ =	shalt  }
0x5e: {  	_ =	shalt  }
0x5f: {  	_ =	shalt  }
0x60: {  	_ =	shalt  }
0x61: {  	_ =	shalt  }
0x62: {  	_ =	shalt  }
0x63: {  	_ =	shalt  }
0x64: {  	_ =	shalt  }
0x65: {  	_ =	shalt  }
0x66: {  	_ =	shalt  }
0x67: {  	_ =	shalt  }
0x68: {  	_ =	shalt  }
0x69: {  	_ =	shalt  }
0x6a: {  	_ =	shalt  }
0x6b: {  	_ =	shalt  }
0x6c: {  	_ =	shalt  }
0x6d: {  	_ =	shalt  }
0x6e: {  	_ =	shalt  }
0x6f: {  	_ =	shalt  }
0x70: {  	_ =	shalt  }
0x71: {  	_ =	shalt  }
0x72: {  	_ =	shalt  }
0x73: {  	_ =	shalt  }
0x74: {  	_ =	shalt  }
0x75: {  	_ =	shalt  }
0x76: {  	_ =	shalt  }
0x77: {  	_ =	shalt  }
0x78: {  	_ =	shalt  }
0x79: {  	_ =	shalt  }
0x7a: {  	_ =	shalt  }
0x7b: {  	_ =	shalt  }
0x7c: {  	_ =	shalt  }
0x7d: {  	_ =	shalt  }
0x7e: {  	_ =	shalt  }
0x7f: {  	_ =	shalt  }
0x80: {  	_ =	shalt  }
0x81: {  	_ =	shalt  }
0x82: {  	_ =	shalt  }
0x83: {  	_ =	shalt  }
0x84: {  	_ =	shalt  }
0x85: {  	_ =	shalt  }
0x86: {  	_ =	shalt  }
0x87: {  	_ =	shalt  }
.Lfunc_end0:
.L_simem_size_0:
called_computation_lowered:
.L_overlay_start_0:
0x88: {  	s2 =	sld [smem:$0x3FD9]  }
0x89: {  	s3 =	sld [smem:$0x3FFE];
	_ =	sdelay $0x1  }
0x8a: {  	s1 =	srdreg.scid  }
0x8b: {  	s0 =	sand.u32 $0x1, s1  }
0x8c: {  	s17 =	sshll.u32 s0, $0xA;
	s2 =	sadd.s32 s3, s2  }
0x8d: {  	s2 =	sadd.s32 s2, s17  }
0x8e: {  	[smem:$0x3FC4] =	sst s2  }
0x8f: {  	_ = 	snop  }
0x90: {  	s2 =	sld [smem:$0x3FD0];
	(tm) =	ssettm $0x1  }
0x91: {  	s18 =	sld [smem:$0x3FFB];
	_ =	sdelay $0x3  }
0x92: {  	_ =	strace s18  }
0x93: {  	s3 =	sld [smem:$0x3FFC];
	_ =	sdelay $0x3  }
0x94: {  	_ =	strace s3  }
0x95: {  	s3 =	sld [smem:$0x3FFD];
	_ =	sdelay $0x3  }
0x96: {  	_ =	strace s3  }
0x97: {  	_ =	strace $0x8FFFFFFF  }
0x98: {  	s19 =	sld [smem:$0x3FDB];
	_ =	sdelay $0x1  }
0x99: {  	s4 =	simm.s32 $_scs_section_size  }
0x9a: {  	s5 =	simm.s32 $_size__tile_overlayer_lowered;
	s6 =	simm.s32 $_tile_overlayer_lowered  }
0x9b: {  	s22 =	simm.s32 $0x1BFF;
	s21 =	sshll.u32 s6, $0x1;
	s3 =	sadd.s32 s4, s19  }
0x9c: {  	s7 =	simm.s32 $0x0;
	s20 =	sshll.u32 s5, $0x1;
	s5 =	sadd.s32 s21, s3  }
0x9d: {  	[timem:s7], [sflag:s22] =	dma.local [hbm:s5], s20  }
0x9e: {  	_ =	swait.ge [sflag:s22], s20  }
0x9f: {  	s4 =	ssub.s32 $0x0, s20;
	[sflag:s22] =	ssyncset.done $0x0  }
0xa0: {  	[sflag:s22] =	ssyncadd.s32 s4;
	_ =	sdelay $0x1  }
0xa1: {  	s23 =	simm.s32 $0x1B8B  }
0xa2: {  	_ =	swait.ge [sflag:s23], $0x1  }
0xa3: {  	[sflag:s23] =	ssyncset.done $0x0  }
0xa4: {  	s25 =	simm.s32 $0x1B8E;
	s24 =	sld [smem:$0x3FFE];
	[sflag:s23] =	ssyncadd.s32 $0xFFFFFFFF  }
0xa5: {  	s26 =	simm.s32 $execute0_lowered;
	[smem:$0x3FD2] =	sst s25  }
0xa6: {  	s5 =	sshll.u32 s26, $0x1;
	_ =	strace $0x80000046;
	[dreg:$0x1] =	wrdreg $0xFFFFFFFF  }
0xa7: {  	s28 =	simm.s32 $_size_execute0_lowered;
	s3 =	sadd.s32 s3, s5;
	[dreg:$0x0] =	wrdreg $0x0  }
0xa8: {  	s5 =	sshll.u32 s28, $0x1;
	[dreg:$0x2] =	wrdreg s3  }
0xa9: {  	[dreg:$0x3] =	wrdreg s5  }
0xaa: {  	[dreg:$0x4] =	wrdreg $0xC0  }
0xab: {  	_ =	task [dreg:s7], $0x5FFFF  }
0xac: {  	[dreg:$0x1] =	wrdreg $0xFFFFFFFF  }
0xad: {  	[dreg:$0x0] =	wrdreg $0x60  }
0xae: {  	[dreg:$0x2] =	wrdreg s24  }
0xaf: {  	[dreg:$0x3] =	wrdreg s2  }
0xb0: {  	[dreg:$0x4] =	wrdreg $0x9  }
0xb1: {  	_ =	task.clear_ibuf [dreg:s7], $0x5FFFF;
	_ =	strace $0x90000046  }
0xb2: {  	s29 =	simm.s32 $0x9;
	_ =	strace $0x80000048  }
0xb3: {  	_ =	swait.ge [sflag:s29], $0x1  }
0xb4: {  	[sflag:s29] =	ssyncadd.s32 $0xFFFFFFFF  }
0xb5: {  	_ =	strace $0x90000048  }
0xb6: {  	_ =	sfence  }
0xb7: {  	s30 =	sld [smem:$0x0];
	_ =	sdelay $0x2  }
0xb8: {  	s31 =	sshll.u32 s1, $0xD;
	s1 =	sshrl.u32 s1, $0x2  }
0xb9: {  	s3 =	sand.u32 $0x4000, s31;
	s1 =	sadd.s32 s1, s30  }
0xba: {  	s0 =	sor.u32 s3, s0;
	s1 =	sshll.u32 s1, $0x11  }
0xbb: {  	s0 =	sor.u32 s1, s0  }
0xbc: {  	s0 =	sadd.s32 $0x8F2B, s0  }
0xbd: {  	[sflag:s0] =	ssyncadd.remote.s32 $0x1  }
0xbe: {  	_ =	sfence.sel $0xFFFF  }
0xbf: {  	[dreg:$0x0] =	wrdreg $0xFFFFFFFF;
	(pc) =	sbr.abs _section_cstart, $3  }
0xc0: {  	[dreg:$0x1] =	wrdreg $0xFFFFFFFF  }
0xc1: {  	_ =	task.clear_ibuf [dreg:s7], $0x2FFFF;
	_ =	strace $0x9FFFFFFF  }
0xc2: {  	(tm) =	ssettm $0x7FFFFFFF  }
0xc3: {  	_ =	shalt  }
tec
execute0_lowered:
.L_overlay_start_1:
0x0: {  	(tag) =	ssettag $0x1  }
0x1: {  	s1 =	srdreg.scid;
	s0 =	stileid.u32  }
0x2: {  	s4 =	rddreg [dreg:$0x0];
	s1 =	sand.u32 $0x1, s1;
	s2 =	sshll.u32 s0, $0x1  }
0x3: {  	s5 =	rddreg [dreg:$0x1];
	s3 =	sor.u32 s1, s2;
	s2 =	simm.s32 $0x0  }
0x4: {  	s7 =	simm.s32 $0x2E40;
	[smem:$0x7FF] =	sst s2  }
0x5: {  	s8 =	simm.s32 $0xF0;
	_ =	strace $0x80000047;
	[dreg:$0x7] =	wrdreg s7  }
0x6: {  	s9 =	simm.s32 $0x4240;
	[dreg:$0x8] =	wrdreg s8  }
0x7: {  	s10 =	simm.s32 $0x140;
	[dreg:$0x9] =	wrdreg s9  }
0x8: {  	s11 =	simm.s32 $0x5640;
	[dreg:$0xa] =	wrdreg s10  }
0x9: {  	s12 =	simm.s32 $0x190;
	[dreg:$0xb] =	wrdreg s11  }
0xa: {  	s13 =	simm.s32 $0x6A40;
	[dreg:$0xc] =	wrdreg s12  }
0xb: {  	s14 =	simm.s32 $0x1E0;
	[dreg:$0xd] =	wrdreg s13  }
0xc: {  	s15 =	simm.s32 $0x7E40;
	[dreg:$0xe] =	wrdreg s14  }
0xd: {  	s16 =	simm.s32 $0x230;
	s6 =	smul.u32 $0xC8, s3;
	[dreg:$0xf] =	wrdreg s15  }
0xe: {  	s17 =	simm.s32 $0x9240;
	s3 =	smul.u32 $0x3200, s3;
	[dreg:$0x10] =	wrdreg s16  }
0xf: {  	s19 =	simm.s32 $0x280;
	[dreg:$0x11] =	wrdreg s17  }
0x10: {  	[dreg:$0x12] =	wrdreg s19;
	s3 =	sadd.s32 s5, s3  }
0x11: {  	s6 =	sadd.s32 s6, s4;
	s5 =	simm.s32 $0x1A40;
	[dreg:$0x4] =	wrdreg s3  }
0x12: {  	s6 =	sadd.s32 $0x800, s6;
	[dreg:$0x5] =	wrdreg s5  }
0x13: {  	[dreg:$0x3] =	wrdreg s6;
	s6 =	simm.s32 $0xA0  }
0x14: {  	[dreg:$0x6] =	wrdreg s6  }
0x15: {  	s3 =	simm.s32 $0x2;
	s18 =	rddreg [dreg:$0x3]  }
0x16: {  	[tilespmem:s2], [sflag:$0x2] =	stream.linear.gather [hbm4b:s18+s2], $0x640, $0x38;
	[tilespmem:$0x19640] =	vst v63  }
0x17: {  	_ =	swait.ge [sflag:s3], $0x640  }
0x18: {  	s7 =	rddreg [dreg:$0x11]  }
0x19: {  	s8 =	rddreg [dreg:$0xf]  }
0x1a: {  	s9 =	rddreg [dreg:$0xd]  }
0x1b: {  	s4 =	sadd.s32 $0x2200, s4;
	s10 =	rddreg [dreg:$0xb]  }
0x1c: {  	s5 =	simm.s32 $0x640;
	s11 =	rddreg [dreg:$0x6];
	[sflag:s3] =	ssyncset.done $0x0  }
0x1d: {  	s6 =	simm.s32 $0x50;
	s12 =	rddreg [dreg:$0x5];
	[sflag:s3] =	ssyncadd.s32 $0xFFFFF9C0  }
0x1e: {  	[tilespmem:s5], [sflag:$0x1] =	stream.indirect.gather [hbm4b:s4+s6], $0x40, s2, s6, $0xb8;
	[tilespmem:$0x19640] =	vst v63  }
0x1f: {  	s13 =	rddreg [dreg:$0x7]  }
0x20: {  	[tilespmem:s12], [sflag:$0x1] =	stream.indirect.gather [hbm4b:s4+s6], $0x40, s6, s6, $0xb8;
	[tilespmem:$0x19640] =	vst v63  }
0x21: {  	s14 =	rddreg [dreg:$0x9]  }
0x22: {  	[tilespmem:s13], [sflag:$0x1] =	stream.indirect.gather [hbm4b:s4+s6], $0x40, s11, s6, $0xb8;
	[tilespmem:$0x19640] =	vst v63  }
0x23: {  	s20 =	rddreg [dreg:$0x8]  }
0x24: {  	[tilespmem:s14], [sflag:$0x1] =	stream.indirect.gather [hbm4b:s4+s6], $0x40, s20, s6, $0xb8;
	[tilespmem:$0x19640] =	vst v63  }
0x25: {  	s21 =	rddreg [dreg:$0xa]  }
0x26: {  	[tilespmem:s10], [sflag:$0x1] =	stream.indirect.gather [hbm4b:s4+s6], $0x40, s21, s6, $0xb8;
	[tilespmem:$0x19640] =	vst v63  }
0x27: {  	s22 =	rddreg [dreg:$0xc]  }
0x28: {  	[tilespmem:s9], [sflag:$0x1] =	stream.indirect.gather [hbm4b:s4+s6], $0x40, s22, s6, $0xb8;
	[tilespmem:$0x19640] =	vst v63  }
0x29: {  	s23 =	rddreg [dreg:$0xe]  }
0x2a: {  	[tilespmem:s8], [sflag:$0x1] =	stream.indirect.gather [hbm4b:s4+s6], $0x40, s23, s6, $0xb8;
	[tilespmem:$0x19640] =	vst v63  }
0x2b: {  	s24 =	rddreg [dreg:$0x10]  }
0x2c: {  	[tilespmem:s7], [sflag:$0x1] =	stream.indirect.gather [hbm4b:s4+s6], $0x40, s24, s6, $0xb8;
	[tilespmem:$0x19640] =	vst v63  }
0x2d: {  	s26 =	simm.s32 $0xA640;
	s25 =	rddreg [dreg:$0x12]  }
0x2e: {  	[tilespmem:s26], [sflag:$0x1] =	stream.indirect.gather [hbm4b:s4+s6], $0x40, s25, s6, $0xb8;
	[tilespmem:$0x19640] =	vst v63  }
0x2f: {  	s8 =	simm.s32 $0xBA40;
	s7 =	simm.s32 $0x2D0  }
0x30: {  	[tilespmem:s8], [sflag:$0x1] =	stream.indirect.gather [hbm4b:s4+s6], $0x40, s7, s6, $0xb8;
	[tilespmem:$0x19640] =	vst v63  }
0x31: {  	s10 =	simm.s32 $0xCE40;
	s9 =	simm.s32 $0x320  }
0x32: {  	[tilespmem:s10], [sflag:$0x1] =	stream.indirect.gather [hbm4b:s4+s6], $0x40, s9, s6, $0xb8;
	[tilespmem:$0x19640] =	vst v63  }
0x33: {  	s12 =	simm.s32 $0xE240;
	s11 =	simm.s32 $0x370  }
0x34: {  	[tilespmem:s12], [sflag:$0x1] =	stream.indirect.gather [hbm4b:s4+s6], $0x40, s11, s6, $0xb8;
	[tilespmem:$0x19640] =	vst v63  }
0x35: {  	s15 =	simm.s32 $0xF640;
	s14 =	simm.s32 $0x3C0  }
0x36: {  	[tilespmem:s15], [sflag:$0x1] =	stream.indirect.gather [hbm4b:s4+s6], $0x40, s14, s6, $0xb8;
	[tilespmem:$0x19640] =	vst v63  }
0x37: {  	s16 =	simm.s32 $0x410;
	s17 =	simm.s32 $0x10A40  }
0x38: {  	[tilespmem:s17], [sflag:$0x1] =	stream.indirect.gather [hbm4b:s4+s6], $0x40, s16, s6, $0xb8;
	[tilespmem:$0x19640] =	vst v63  }
0x39: {  	s19 =	simm.s32 $0x11E40;
	s18 =	simm.s32 $0x460  }
0x3a: {  	[tilespmem:s19], [sflag:$0x1] =	stream.indirect.gather [hbm4b:s4+s6], $0x40, s18, s6, $0xb8;
	[tilespmem:$0x19640] =	vst v63  }
0x3b: {  	s20 =	simm.s32 $0x4B0;
	s21 =	simm.s32 $0x13240  }
0x3c: {  	[tilespmem:s21], [sflag:$0x1] =	stream.indirect.gather [hbm4b:s4+s6], $0x40, s20, s6, $0xb8;
	[tilespmem:$0x19640] =	vst v63  }
0x3d: {  	s22 =	simm.s32 $0x500;
	s23 =	simm.s32 $0x14640  }
0x3e: {  	[tilespmem:s23], [sflag:$0x1] =	stream.indirect.gather [hbm4b:s4+s6], $0x40, s22, s6, $0xb8;
	[tilespmem:$0x19640] =	vst v63  }
0x3f: {  	s24 =	simm.s32 $0x550;
	s25 =	simm.s32 $0x15A40  }
0x40: {  	[tilespmem:s25], [sflag:$0x1] =	stream.indirect.gather [hbm4b:s4+s6], $0x40, s24, s6, $0xb8;
	[tilespmem:$0x19640] =	vst v63  }
0x41: {  	s28 =	simm.s32 $0x16E40;
	s26 =	simm.s32 $0x5A0  }
0x42: {  	[tilespmem:s28], [sflag:$0x1] =	stream.indirect.gather [hbm4b:s4+s6], $0x40, s26, s6, $0xb8;
	[tilespmem:$0x19640] =	vst v63  }
0x43: {  	s30 =	simm.s32 $0x5F0;
	s31 =	simm.s32 $0x18240;
	s29 =	simm.s32 $0x1  }
0x44: {  	[tilespmem:s31], [sflag:$0x1] =	stream.indirect.gather [hbm4b:s4+s6], $0x40, s30, s6, $0xb8;
	[tilespmem:$0x19640] =	vst v63  }
0x45: {  	_ =	swait.ge [sflag:s29], $0x1400  }
0x46: {  	[sflag:s29] =	ssyncset.done $0x0  }
0x47: {  	[sflag:s29] =	ssyncadd.s32 $0xFFFFEC00  }
0x48: {  	_ =	swait.ge [sflag:s29], $0x1400  }
0x49: {  	[sflag:s29] =	ssyncset.done $0x0  }
0x4a: {  	[sflag:s29] =	ssyncadd.s32 $0xFFFFEC00  }
0x4b: {  	_ =	swait.ge [sflag:s29], $0x1400  }
0x4c: {  	[sflag:s29] =	ssyncset.done $0x0  }
0x4d: {  	[sflag:s29] =	ssyncadd.s32 $0xFFFFEC00  }
0x4e: {  	_ =	swait.ge [sflag:s29], $0x1400  }
0x4f: {  	[sflag:s29] =	ssyncset.done $0x0  }
0x50: {  	[sflag:s29] =	ssyncadd.s32 $0xFFFFEC00  }
0x51: {  	_ =	swait.ge [sflag:s29], $0x1400  }
0x52: {  	[sflag:s29] =	ssyncset.done $0x0  }
0x53: {  	[sflag:s29] =	ssyncadd.s32 $0xFFFFEC00  }
0x54: {  	_ =	swait.ge [sflag:s29], $0x1400  }
0x55: {  	[sflag:s29] =	ssyncset.done $0x0  }
0x56: {  	[sflag:s29] =	ssyncadd.s32 $0xFFFFEC00  }
0x57: {  	_ =	swait.ge [sflag:s29], $0x1400  }
0x58: {  	[sflag:s29] =	ssyncset.done $0x0  }
0x59: {  	[sflag:s29] =	ssyncadd.s32 $0xFFFFEC00  }
0x5a: {  	_ =	swait.ge [sflag:s29], $0x1400  }
0x5b: {  	[sflag:s29] =	ssyncset.done $0x0  }
0x5c: {  	[sflag:s29] =	ssyncadd.s32 $0xFFFFEC00  }
0x5d: {  	_ =	swait.ge [sflag:s29], $0x1400  }
0x5e: {  	[sflag:s29] =	ssyncset.done $0x0  }
0x5f: {  	[sflag:s29] =	ssyncadd.s32 $0xFFFFEC00  }
0x60: {  	_ =	swait.ge [sflag:s29], $0x1400  }
0x61: {  	[sflag:s29] =	ssyncset.done $0x0  }
0x62: {  	[sflag:s29] =	ssyncadd.s32 $0xFFFFEC00  }
0x63: {  	_ =	swait.ge [sflag:s29], $0x1400  }
0x64: {  	[sflag:s29] =	ssyncset.done $0x0  }
0x65: {  	[sflag:s29] =	ssyncadd.s32 $0xFFFFEC00  }
0x66: {  	_ =	swait.ge [sflag:s29], $0x1400  }
0x67: {  	[sflag:s29] =	ssyncset.done $0x0  }
0x68: {  	[sflag:s29] =	ssyncadd.s32 $0xFFFFEC00  }
0x69: {  	_ =	swait.ge [sflag:s29], $0x1400  }
0x6a: {  	[sflag:s29] =	ssyncset.done $0x0  }
0x6b: {  	[sflag:s29] =	ssyncadd.s32 $0xFFFFEC00  }
0x6c: {  	_ =	swait.ge [sflag:s29], $0x1400  }
0x6d: {  	[sflag:s29] =	ssyncset.done $0x0  }
0x6e: {  	[sflag:s29] =	ssyncadd.s32 $0xFFFFEC00  }
0x6f: {  	_ =	swait.ge [sflag:s29], $0x1400  }
0x70: {  	[sflag:s29] =	ssyncset.done $0x0  }
0x71: {  	[sflag:s29] =	ssyncadd.s32 $0xFFFFEC00  }
0x72: {  	_ =	swait.ge [sflag:s29], $0x1400  }
0x73: {  	[sflag:s29] =	ssyncset.done $0x0  }
0x74: {  	[sflag:s29] =	ssyncadd.s32 $0xFFFFEC00  }
0x75: {  	s1 =	ssub.s32 $0x2, s1;
	_ =	swait.ge [sflag:s29], $0x1400  }
0x76: {  	s13 =	sshrl.u32 s1, $0x1;
	[sflag:s29] =	ssyncset.done $0x0  }
0x77: {  	s0 =	ssub.s32 s1, s13;
	[sflag:s29] =	ssyncadd.s32 $0xFFFFEC00  }
0x78: {  	s0 =	smax.u32 s0, $0x1;
	_ =	swait.ge [sflag:s29], $0x1400  }
0x79: {  	p0 =	sne.s32 s0, $0x1;
	[sflag:s29] =	ssyncset.done $0x0  }
.Ltmp0:
0x7a: {  	[sflag:s29] =	ssyncadd.s32 $0xFFFFEC00;
	(pc) =	sbr.rel @!p0 .LBB2_2-.Ltmp0, $4  }
0x7b: {  	_ =	swait.ge [sflag:s29], $0x1400  }
0x7c: {  	[sflag:s29] =	ssyncset.done $0x0  }
0x7d: {  	[sflag:s29] =	ssyncadd.s32 $0xFFFFEC00  }
0x7e: {  	s1 =	sadd.s32 $0xFFFFFFFF, s0;
	_ =	swait.ge [sflag:s29], $0x1400  }
.LBB2_1:
0x7f: {  	[sflag:s29] =	ssyncset.done $0x0  }
0x80: {  	s0 =	rddreg [dreg:$0x4];
	[sflag:s29] =	ssyncadd.s32 $0xFFFFEC00  }
0x81: {  	[hbm4b:s0+s2] =	stream.linear.scatter [tilespmem:s5], [sflag:$0x2], $0x19000, $0x38;
	[tilespmem:$0x19640] =	vst v63  }
0x82: {  	_ =	swait.ge [sflag:s3], $0x19000  }
0x83: {  	[sflag:s3] =	ssyncset.done $0x0  }
0x84: {  	s11 =	rddreg [dreg:$0x3];
	[sflag:s3] =	ssyncadd.s32 $0xFFFE7000  }
0x85: {  	[tilespmem:s2], [sflag:$0x2] =	stream.linear.gather [hbm4b:s11+s2], $0x640, $0x38;
	[tilespmem:$0x19640] =	vst v63  }
0x86: {  	_ =	swait.ge [sflag:s3], $0x640  }
0x87: {  	s0 =	rddreg [dreg:$0x11]  }
0x88: {  	s7 =	rddreg [dreg:$0xf]  }
0x89: {  	s8 =	rddreg [dreg:$0xd]  }
0x8a: {  	s9 =	rddreg [dreg:$0xb]  }
0x8b: {  	s10 =	rddreg [dreg:$0x6];
	[sflag:s3] =	ssyncset.done $0x0  }
0x8c: {  	s11 =	rddreg [dreg:$0x5];
	[sflag:s3] =	ssyncadd.s32 $0xFFFFF9C0  }
0x8d: {  	[tilespmem:s5], [sflag:$0x1] =	stream.indirect.gather [hbm4b:s4+s6], $0x40, s2, s6, $0xb8;
	[tilespmem:$0x19640] =	vst v63  }
0x8e: {  	s12 =	rddreg [dreg:$0x7]  }
0x8f: {  	[tilespmem:s11], [sflag:$0x1] =	stream.indirect.gather [hbm4b:s4+s6], $0x40, s6, s6, $0xb8;
	[tilespmem:$0x19640] =	vst v63  }
0x90: {  	s13 =	rddreg [dreg:$0x9]  }
0x91: {  	[tilespmem:s12], [sflag:$0x1] =	stream.indirect.gather [hbm4b:s4+s6], $0x40, s10, s6, $0xb8;
	[tilespmem:$0x19640] =	vst v63  }
0x92: {  	s11 =	rddreg [dreg:$0x8]  }
0x93: {  	[tilespmem:s13], [sflag:$0x1] =	stream.indirect.gather [hbm4b:s4+s6], $0x40, s11, s6, $0xb8;
	[tilespmem:$0x19640] =	vst v63  }
0x94: {  	s12 =	rddreg [dreg:$0xa]  }
0x95: {  	[tilespmem:s9], [sflag:$0x1] =	stream.indirect.gather [hbm4b:s4+s6], $0x40, s12, s6, $0xb8;
	[tilespmem:$0x19640] =	vst v63  }
0x96: {  	s13 =	rddreg [dreg:$0xc]  }
0x97: {  	[tilespmem:s8], [sflag:$0x1] =	stream.indirect.gather [hbm4b:s4+s6], $0x40, s13, s6, $0xb8;
	[tilespmem:$0x19640] =	vst v63  }
0x98: {  	s10 =	rddreg [dreg:$0xe]  }
0x99: {  	[tilespmem:s7], [sflag:$0x1] =	stream.indirect.gather [hbm4b:s4+s6], $0x40, s10, s6, $0xb8;
	[tilespmem:$0x19640] =	vst v63  }
0x9a: {  	s11 =	rddreg [dreg:$0x10]  }
0x9b: {  	[tilespmem:s0], [sflag:$0x1] =	stream.indirect.gather [hbm4b:s4+s6], $0x40, s11, s6, $0xb8;
	[tilespmem:$0x19640] =	vst v63  }
0x9c: {  	s12 =	rddreg [dreg:$0x12];
	s13 =	simm.s32 $0xA640  }
0x9d: {  	[tilespmem:s13], [sflag:$0x1] =	stream.indirect.gather [hbm4b:s4+s6], $0x40, s12, s6, $0xb8;
	[tilespmem:$0x19640] =	vst v63  }
0x9e: {  	s9 =	simm.s32 $0xBA40;
	s8 =	simm.s32 $0x2D0  }
0x9f: {  	[tilespmem:s9], [sflag:$0x1] =	stream.indirect.gather [hbm4b:s4+s6], $0x40, s8, s6, $0xb8;
	[tilespmem:$0x19640] =	vst v63  }
0xa0: {  	s10 =	simm.s32 $0x320;
	s11 =	simm.s32 $0xCE40  }
0xa1: {  	[tilespmem:s11], [sflag:$0x1] =	stream.indirect.gather [hbm4b:s4+s6], $0x40, s10, s6, $0xb8;
	[tilespmem:$0x19640] =	vst v63  }
0xa2: {  	s12 =	simm.s32 $0x370;
	s13 =	simm.s32 $0xE240  }
0xa3: {  	[tilespmem:s13], [sflag:$0x1] =	stream.indirect.gather [hbm4b:s4+s6], $0x40, s12, s6, $0xb8;
	[tilespmem:$0x19640] =	vst v63  }
0xa4: {  	_ = 	snop  }
0xa5: {  	[tilespmem:s15], [sflag:$0x1] =	stream.indirect.gather [hbm4b:s4+s6], $0x40, s14, s6, $0xb8;
	[tilespmem:$0x19640] =	vst v63  }
0xa6: {  	_ = 	snop  }
0xa7: {  	[tilespmem:s17], [sflag:$0x1] =	stream.indirect.gather [hbm4b:s4+s6], $0x40, s16, s6, $0xb8;
	[tilespmem:$0x19640] =	vst v63  }
0xa8: {  	_ = 	snop  }
0xa9: {  	[tilespmem:s19], [sflag:$0x1] =	stream.indirect.gather [hbm4b:s4+s6], $0x40, s18, s6, $0xb8;
	[tilespmem:$0x19640] =	vst v63  }
0xaa: {  	_ = 	snop  }
0xab: {  	[tilespmem:s21], [sflag:$0x1] =	stream.indirect.gather [hbm4b:s4+s6], $0x40, s20, s6, $0xb8;
	[tilespmem:$0x19640] =	vst v63  }
0xac: {  	_ = 	snop  }
0xad: {  	[tilespmem:s23], [sflag:$0x1] =	stream.indirect.gather [hbm4b:s4+s6], $0x40, s22, s6, $0xb8;
	[tilespmem:$0x19640] =	vst v63  }
0xae: {  	_ = 	snop  }
0xaf: {  	[tilespmem:s25], [sflag:$0x1] =	stream.indirect.gather [hbm4b:s4+s6], $0x40, s24, s6, $0xb8;
	[tilespmem:$0x19640] =	vst v63  }
0xb0: {  	_ = 	snop  }
0xb1: {  	[tilespmem:s28], [sflag:$0x1] =	stream.indirect.gather [hbm4b:s4+s6], $0x40, s26, s6, $0xb8;
	[tilespmem:$0x19640] =	vst v63  }
0xb2: {  	_ = 	snop  }
0xb3: {  	[tilespmem:s31], [sflag:$0x1] =	stream.indirect.gather [hbm4b:s4+s6], $0x40, s30, s6, $0xb8;
	[tilespmem:$0x19640] =	vst v63  }
0xb4: {  	_ =	swait.ge [sflag:s29], $0x1400  }
0xb5: {  	[sflag:s29] =	ssyncset.done $0x0  }
0xb6: {  	[sflag:s29] =	ssyncadd.s32 $0xFFFFEC00  }
0xb7: {  	_ =	swait.ge [sflag:s29], $0x1400  }
0xb8: {  	[sflag:s29] =	ssyncset.done $0x0  }
0xb9: {  	[sflag:s29] =	ssyncadd.s32 $0xFFFFEC00  }
0xba: {  	_ =	swait.ge [sflag:s29], $0x1400  }
0xbb: {  	[sflag:s29] =	ssyncset.done $0x0  }
0xbc: {  	[sflag:s29] =	ssyncadd.s32 $0xFFFFEC00  }
0xbd: {  	_ =	swait.ge [sflag:s29], $0x1400  }
0xbe: {  	[sflag:s29] =	ssyncset.done $0x0  }
0xbf: {  	[sflag:s29] =	ssyncadd.s32 $0xFFFFEC00  }
0xc0: {  	_ =	swait.ge [sflag:s29], $0x1400  }
0xc1: {  	[sflag:s29] =	ssyncset.done $0x0  }
0xc2: {  	[sflag:s29] =	ssyncadd.s32 $0xFFFFEC00  }
0xc3: {  	_ =	swait.ge [sflag:s29], $0x1400  }
0xc4: {  	[sflag:s29] =	ssyncset.done $0x0  }
0xc5: {  	[sflag:s29] =	ssyncadd.s32 $0xFFFFEC00  }
0xc6: {  	_ =	swait.ge [sflag:s29], $0x1400  }
0xc7: {  	[sflag:s29] =	ssyncset.done $0x0  }
0xc8: {  	[sflag:s29] =	ssyncadd.s32 $0xFFFFEC00  }
0xc9: {  	_ =	swait.ge [sflag:s29], $0x1400  }
0xca: {  	[sflag:s29] =	ssyncset.done $0x0  }
0xcb: {  	[sflag:s29] =	ssyncadd.s32 $0xFFFFEC00  }
0xcc: {  	_ =	swait.ge [sflag:s29], $0x1400  }
0xcd: {  	[sflag:s29] =	ssyncset.done $0x0  }
0xce: {  	[sflag:s29] =	ssyncadd.s32 $0xFFFFEC00  }
0xcf: {  	_ =	swait.ge [sflag:s29], $0x1400  }
0xd0: {  	[sflag:s29] =	ssyncset.done $0x0  }
0xd1: {  	[sflag:s29] =	ssyncadd.s32 $0xFFFFEC00  }
0xd2: {  	_ =	swait.ge [sflag:s29], $0x1400  }
0xd3: {  	[sflag:s29] =	ssyncset.done $0x0  }
0xd4: {  	[sflag:s29] =	ssyncadd.s32 $0xFFFFEC00  }
0xd5: {  	_ =	swait.ge [sflag:s29], $0x1400  }
0xd6: {  	[sflag:s29] =	ssyncset.done $0x0  }
0xd7: {  	[sflag:s29] =	ssyncadd.s32 $0xFFFFEC00  }
0xd8: {  	_ =	swait.ge [sflag:s29], $0x1400  }
0xd9: {  	[sflag:s29] =	ssyncset.done $0x0  }
0xda: {  	[sflag:s29] =	ssyncadd.s32 $0xFFFFEC00  }
0xdb: {  	_ =	swait.ge [sflag:s29], $0x1400  }
0xdc: {  	[sflag:s29] =	ssyncset.done $0x0  }
0xdd: {  	[sflag:s29] =	ssyncadd.s32 $0xFFFFEC00  }
0xde: {  	_ =	swait.ge [sflag:s29], $0x1400  }
0xdf: {  	[sflag:s29] =	ssyncset.done $0x0  }
0xe0: {  	[sflag:s29] =	ssyncadd.s32 $0xFFFFEC00  }
0xe1: {  	_ =	swait.ge [sflag:s29], $0x1400  }
0xe2: {  	[sflag:s29] =	ssyncset.done $0x0  }
0xe3: {  	[sflag:s29] =	ssyncadd.s32 $0xFFFFEC00  }
0xe4: {  	_ =	swait.ge [sflag:s29], $0x1400  }
0xe5: {  	[sflag:s29] =	ssyncset.done $0x0  }
0xe6: {  	[sflag:s29] =	ssyncadd.s32 $0xFFFFEC00  }
0xe7: {  	_ =	swait.ge [sflag:s29], $0x1400  }
0xe8: {  	p0 =	sne.s32 s1, $0x1;
	[sflag:s29] =	ssyncset.done $0x0  }
.Ltmp1:
0xe9: {  	[sflag:s29] =	ssyncadd.s32 $0xFFFFEC00;
	(pc) =	sbr.rel @p0 .LBB2_1-.Ltmp1, $4  }
0xea: {  	_ =	swait.ge [sflag:s29], $0x1400  }
0xeb: {  	[sflag:s29] =	ssyncset.done $0x0  }
0xec: {  	[sflag:s29] =	ssyncadd.s32 $0xFFFFEC00  }
0xed: {  	s1 =	sadd.s32 $0xFFFFFFFF, s1;
	_ =	swait.ge [sflag:s29], $0x1400  }
.LBB2_2:
0xee: {  	[sflag:s29] =	ssyncset.done $0x0  }
0xef: {  	s0 =	rddreg [dreg:$0x4];
	[sflag:s29] =	ssyncadd.s32 $0xFFFFEC00  }
0xf0: {  	[hbm4b:s0+s2] =	stream.linear.scatter [tilespmem:s5], [sflag:$0x2], $0x19000, $0x38;
	[tilespmem:$0x19640] =	vst v63  }
0xf1: {  	_ =	swait.ge [sflag:s3], $0x19000  }
0xf2: {  	[sflag:s3] =	ssyncset.done $0x0  }
0xf3: {  	[sflag:s3] =	ssyncadd.s32 $0xFFFE7000  }
0xf4: {  	_ =	sfence.sel $0x180000  }
0xf5: {  	[bflag:$0x0] =	sbarrier.arrive $0xFFFF  }
0xf6: {  	_ =	strace $0x90000047  }
0xf7: {  	s31 =	stileid.u32;
	[bflag:$0x2] =	sbarrier.arrive $0xFFFF  }
0xf8: {  	p0 =	sne.s32 s31, $0x0;
	s0 =	rddreg [dreg:$0x2]  }
0xf9: {  	s0 =	sadd.s32 @!p0 $0x100000, s0  }
0xfa: {  	[sflag:s0] =	ssyncadd.tile.s32 @!p0 $0x1;
	_ =	shalt  }
.Lfunc_end2:
_tile_overlayer_lowered:
.L_overlay_start_2:
0xfb: {  	(tag) =	ssettag $0x2  }
0xfc: {  	s0 =	rddreg [dreg:$0x0];
	s2 =	stileid.u32  }
0xfd: {  	s1 =	rddreg [dreg:$0x1];
	p0 =	sne.s32 s2, $0x0  }
0xfe: {  	s3 =	rddreg [dreg:$0x2];
	[bflag:$0x3] =	sbarrier.arrive $0xFFFF;
	s2 =	simm.s32 @!p0 $0x1C02  }
0xff: {  	[timem:s3], [sflag:s2] =	dma.local @!p0 [hbm:s0], s1  }
0x100: {  	s0 =	simm.s32 @!p0 $0x2  }
0x101: {  	_ =	swait.ge @!p0 [sflag:s0], s1  }
0x102: {  	s1 =	ssub.s32 @!p0 $0x0, s1;
	[sflag:s0] =	ssyncset.done @!p0 $0x0  }
0x103: {  	[sflag:s0] =	ssyncadd.s32 @!p0 s1  }
0x104: {  	[bflag:$0x3] =	sbarrier.arrive $0xFFFF  }
0x105: {  	_ =	shalt  }

</sc_bundles>
